<compile_context>
chip_gen: v7x
topology: tpu7x:2x2x1
jax: 0.10.2.dev20260603
libtpu: 0.0.44.dev20260713+nightly
codegen_flags: <defaults>
</compile_context>

<pallas_src>
import functools

import jax
import jax.numpy as jnp
from jax import lax
from jax.experimental import pallas as pl
from jax.experimental.pallas import tpu as pltpu
from jax.experimental.pallas import tpu_sc as plsc

_N = 5000
_B = 512
_NB = 10
_NP = _B * _NB
_THR = 0.7

_NC = 2
_NS = 16
_NW = _NC * _NS
_CH = _NP // _NW
_L = 16


def _nms_body(x1r, y1r, x2r, y2r, ar, x1c, y1c, x2c, y2c, ac, keep_ref):
    iot_r = jax.lax.broadcasted_iota(jnp.int32, (_B, _B), 0)
    iot_c = jax.lax.broadcasted_iota(jnp.int32, (_B, _B), 1)
    upper = (iot_r < iot_c).astype(jnp.float32)

    def iou_ind(ri, cj):
        rs = pl.ds(ri * _B, _B)
        cs = pl.ds(cj * _B, _B)
        X1r = x1r[rs, :]
        Y1r = y1r[rs, :]
        X2r = x2r[rs, :]
        Y2r = y2r[rs, :]
        Ar = ar[rs, :]
        X1c = x1c[:, cs]
        Y1c = y1c[:, cs]
        X2c = x2c[:, cs]
        Y2c = y2c[:, cs]
        Ac = ac[:, cs]
        wx = jnp.maximum(jnp.minimum(X2r, X2c) - jnp.maximum(X1r, X1c), 0.0)
        wy = jnp.maximum(jnp.minimum(Y2r, Y2c) - jnp.maximum(Y1r, Y1c), 0.0)
        inter = wx * wy
        union = Ar + Ac - inter
        iou = inter / jnp.maximum(union, 1e-9)
        return (iou > _THR).astype(jnp.float32)

    def block_body(k, carry):
        def cross(e, supp):
            m = iou_ind(e, k)
            kept = keep_ref[0:1, pl.ds(e * _B, _B)]
            return supp + jax.lax.dot_general(
                kept, m, (((1,), (0,)), ((), ())),
                preferred_element_type=jnp.float32)

        supp = jax.lax.fori_loop(0, k, cross, jnp.zeros((1, _B), jnp.float32))
        m_self = iou_ind(k, k) * upper
        alive0 = (supp == 0.0).astype(jnp.float32)

        def w_cond(c):
            return c[1]

        def w_body(c):
            alive, _ = c
            s = jax.lax.dot_general(
                alive, m_self, (((1,), (0,)), ((), ())),
                preferred_element_type=jnp.float32)
            new = alive0 * (s == 0.0).astype(jnp.float32)
            changed = jnp.sum(jnp.abs(new - alive)) > 0.0
            return (new, changed)

        alive, _ = jax.lax.while_loop(
            w_cond, w_body, (alive0, jnp.bool_(True)))
        keep_ref[0:1, pl.ds(k * _B, _B)] = alive
        return carry

    jax.lax.fori_loop(0, _NB, block_body, 0)


def _assemble_body(x1, y1, x2, y2, sc, inv, keep,
                   ox1, oy1, ox2, oy2, osc,
                   keep_v, idx_v,
                   i0, i1, i2, i3, i4,
                   o0, o1, o2, o3, o4):
    wid = lax.axis_index("s") * _NC + lax.axis_index("c")
    base = wid * _CH
    cols_in = (x1, y1, x2, y2, sc)
    cols_out = (ox1, oy1, ox2, oy2, osc)
    ins = (i0, i1, i2, i3, i4)
    outs = (o0, o1, o2, o3, o4)
    pltpu.sync_copy(keep, keep_v)
    pltpu.sync_copy(inv.at[pl.ds(base, _CH)], idx_v)
    for c in range(5):
        pltpu.sync_copy(cols_in[c].at[pl.ds(base, _CH)], ins[c])
    for j in range(_CH // _L):
        sl = pl.ds(j * _L, _L)
        kj = plsc.load_gather(keep_v, [idx_v[sl]])
        for c in range(5):
            outs[c][sl] = ins[c][sl] * kj
    for c in range(5):
        pltpu.sync_copy(outs[c], cols_out[c].at[pl.ds(base, _CH)])


def _make_assemble():
    out1d = jax.ShapeDtypeStruct((_NP,), jnp.float32)
    return functools.partial(
        pl.kernel,
        out_type=[out1d, out1d, out1d, out1d, out1d],
        mesh=plsc.VectorSubcoreMesh(core_axis_name="c", subcore_axis_name="s",
                                    num_cores=_NC, num_subcores=_NS),
        scratch_types=(
            [pltpu.VMEM((_NP,), jnp.float32),
             pltpu.VMEM((_CH,), jnp.int32)]
            + [pltpu.VMEM((_CH,), jnp.float32) for _ in range(10)]),
        compiler_params=pltpu.CompilerParams(needs_layout_passes=False),
    )(_assemble_body)


def kernel(boxes, scores):
    order = jnp.argsort(-scores)
    bs = boxes[order]
    bsp = jnp.pad(bs, ((0, _NP - _N), (0, 0)))
    x1 = bsp[:, 0]
    y1 = bsp[:, 1]
    x2 = bsp[:, 2]
    y2 = bsp[:, 3]
    area = jnp.maximum(x2 - x1, 0.0) * jnp.maximum(y2 - y1, 0.0)

    def col(v):
        return v.reshape(_NP, 1)

    def row(v):
        return v.reshape(1, _NP)

    keep_sorted = pl.pallas_call(
        _nms_body,
        out_shape=jax.ShapeDtypeStruct((1, _NP), jnp.float32),
    )(col(x1), col(y1), col(x2), col(y2), col(area),
      row(x1), row(y1), row(x2), row(y2), row(area))

    inv = jnp.pad(jnp.argsort(order).astype(jnp.int32), (0, _NP - _N))
    bp = jnp.pad(boxes, ((0, _NP - _N), (0, 0)))
    sp = jnp.pad(scores, (0, _NP - _N))
    ox1, oy1, ox2, oy2, osc = _make_assemble()(
        bp[:, 0], bp[:, 1], bp[:, 2], bp[:, 3], sp,
        inv, keep_sorted.reshape(_NP))
    return jnp.stack([ox1, oy1, ox2, oy2, osc], axis=1)[:_N]

# --- scband reference (transcript-rebuilt; emitter-appended) ---
"""Pipeline reference for scband-faster-rcnn-7739531067409 (READ-ONLY COPY).

The authoritative reference and input builder live on the scoring server;
editing this copy changes nothing except your own understanding.
"""

import jax, jax.numpy as jnp
import numpy as np

N = 5000
NMS_THRESHOLD = 0.7
IMAGE_SIZE = (512, 512)


def _iou_one_vs_all(box, boxes):
    # box: [4], boxes: [N, 4], corner format (x1, y1, x2, y2)
    area_a = jnp.clip(box[2] - box[0], 0.0) * jnp.clip(box[3] - box[1], 0.0)
    area_b = jnp.clip(boxes[:, 2] - boxes[:, 0], 0.0) * jnp.clip(boxes[:, 3] - boxes[:, 1], 0.0)
    lt = jnp.maximum(box[None, :2], boxes[:, :2])
    rb = jnp.minimum(box[None, 2:], boxes[:, 2:])
    wh = jnp.clip(rb - lt, 0.0)
    inter = wh[:, 0] * wh[:, 1]
    union = area_a + area_b - inter
    return inter / jnp.maximum(union, 1e-9)


def _nms_keep(boxes, scores, iou_threshold):
    # Greedy NMS identical in semantics to torchvision.ops.nms: process boxes
    # in descending score order; a box suppresses later boxes with IoU > thr.
    n = boxes.shape[0]
    order = jnp.argsort(-scores)
    boxes_sorted = boxes[order]
    idxs = jnp.arange(n)

    def body(i, keep):
        cur = boxes_sorted[i]
        ious = _iou_one_vs_all(cur, boxes_sorted)
        suppress = (ious > iou_threshold) & (idxs > i) & keep[i]
        return keep & (~suppress)

    keep_sorted = jax.lax.fori_loop(0, n, body, jnp.ones((n,), dtype=bool))
    # scatter keep flags back to original box order
    keep = jnp.zeros((n,), dtype=bool).at[order].set(keep_sorted)
    return keep


def setup_inputs(seed: int = 0) -> dict:
    key = jax.random.key(seed)
    k1, k2 = jax.random.split(key)
    raw = jax.random.uniform(k1, (N, 4), dtype=jnp.float32)
    x1 = raw[:, 0] * IMAGE_SIZE[1]
    y1 = raw[:, 1] * IMAGE_SIZE[0]
    x2 = x1 + raw[:, 2] * 100.0 + 1.0
    y2 = y1 + raw[:, 3] * 100.0 + 1.0
    boxes = jnp.stack([x1, y1, x2, y2], axis=1)
    scores = jax.random.uniform(k2, (N,), dtype=jnp.float32)
    return {"boxes": boxes, "scores": scores}


def reference(boxes, scores):
    keep = _nms_keep(boxes, scores, NMS_THRESHOLD).astype(jnp.float32)
    # Emit NMS-filtered detections: surviving boxes and their scores
    # (suppressed rows zeroed), matching the proposal-filtering step of
    # FasterRCNN.pick_fg_and_bg_objectness_and_bbox.
    out = jnp.concatenate([boxes * keep[:, None], (scores * keep)[:, None]], axis=1)
    return out

if __name__ == "__main__":
    import jax
    _d = setup_inputs()
    print(jax.jit(kernel)(*tuple(_d.values())))

</pallas_src>

<mosaic_0001>
#map = affine_map<(d0, d1) -> (0)>
module attributes {stable_mosaic.version = 14 : i64} {
  func.func @_assemble_body(%arg0: i32, %arg1: i32, %arg2: memref<5120xf32, #tpu.memory_space<hbm>>, %arg3: memref<5120xf32, #tpu.memory_space<hbm>>, %arg4: memref<5120xf32, #tpu.memory_space<hbm>>, %arg5: memref<5120xf32, #tpu.memory_space<hbm>>, %arg6: memref<5120xf32, #tpu.memory_space<hbm>>, %arg7: memref<5120xi32, #tpu.memory_space<hbm>>, %arg8: memref<5120xf32, #tpu.memory_space<hbm>>, %arg9: memref<5120xf32, #tpu.memory_space<hbm>>, %arg10: memref<5120xf32, #tpu.memory_space<hbm>>, %arg11: memref<5120xf32, #tpu.memory_space<hbm>>, %arg12: memref<5120xf32, #tpu.memory_space<hbm>>, %arg13: memref<5120xf32, #tpu.memory_space<hbm>>, %arg14: memref<5120xf32, #tpu.memory_space<vmem>>, %arg15: memref<160xi32, #tpu.memory_space<vmem>>, %arg16: memref<160xf32, #tpu.memory_space<vmem>>, %arg17: memref<160xf32, #tpu.memory_space<vmem>>, %arg18: memref<160xf32, #tpu.memory_space<vmem>>, %arg19: memref<160xf32, #tpu.memory_space<vmem>>, %arg20: memref<160xf32, #tpu.memory_space<vmem>>, %arg21: memref<160xf32, #tpu.memory_space<vmem>>, %arg22: memref<160xf32, #tpu.memory_space<vmem>>, %arg23: memref<160xf32, #tpu.memory_space<vmem>>, %arg24: memref<160xf32, #tpu.memory_space<vmem>>, %arg25: memref<160xf32, #tpu.memory_space<vmem>>) attributes {dimension_semantics = [#tpu.dimension_semantics<core_parallel>, #tpu.dimension_semantics<subcore_parallel>], iteration_bounds = array<i64: 2, 16>, scalar_prefetch = 0 : i64, scratch_operands = 12 : i64, tpu.core_type = #tpu.core_type<sc_vector_subcore>, window_params = [{transform_indices = #map}, {transform_indices = #map}, {transform_indices = #map}, {transform_indices = #map}, {transform_indices = #map}, {transform_indices = #map}, {transform_indices = #map}, {transform_indices = #map}, {transform_indices = #map}, {transform_indices = #map}, {transform_indices = #map}, {transform_indices = #map}]} {
    %mul3A = arith.constant 2 : i32
    %mul3A_0 = arith.muli %arg1, %mul3A : i32
    %add3A = arith.addi %mul3A_0, %arg0 : i32
    %mul3A_1 = arith.constant 160 : i32
    %mul3A_2 = arith.muli %add3A, %mul3A_1 : i32
    "tpu.region"() ({
      %run_scoped3A = tpu.sem_alloc : memref<!tpu.dma_semaphore, #tpu.memory_space<semaphore_mem>>
      tpu.enqueue_dma source(%arg8 : memref<5120xf32, #tpu.memory_space<hbm>>) target(%arg14 : memref<5120xf32, #tpu.memory_space<vmem>>) target_semaphore(%run_scoped3A : memref<!tpu.dma_semaphore, #tpu.memory_space<semaphore_mem>>)
      tpu.wait_dma2 semaphore(%run_scoped3A : memref<!tpu.dma_semaphore, #tpu.memory_space<semaphore_mem>>) src(%arg8 : memref<5120xf32, #tpu.memory_space<hbm>>) dst(%arg14 : memref<5120xf32, #tpu.memory_space<vmem>>)
      tpu.yield
    }) : () -> ()
    "tpu.region"() ({
      %run_scoped3A = tpu.sem_alloc : memref<!tpu.dma_semaphore, #tpu.memory_space<semaphore_mem>>
      %dma_start3A = tpu.memref_slice %arg7[%mul3A_2] : memref<5120xi32, #tpu.memory_space<hbm>> -> memref<160xi32, #tpu.memory_space<hbm>>
      %dma_start3A_280 = tpu.memref_slice %arg7[%mul3A_2] : memref<5120xi32, #tpu.memory_space<hbm>> -> memref<160xi32, #tpu.memory_space<hbm>>
      tpu.enqueue_dma source(%dma_start3A_280 : memref<160xi32, #tpu.memory_space<hbm>>) target(%arg15 : memref<160xi32, #tpu.memory_space<vmem>>) target_semaphore(%run_scoped3A : memref<!tpu.dma_semaphore, #tpu.memory_space<semaphore_mem>>)
      %dma_wait3A = tpu.memref_slice %arg7[%mul3A_2] : memref<5120xi32, #tpu.memory_space<hbm>> -> memref<160xi32, #tpu.memory_space<hbm>>
      %dma_wait3A_281 = tpu.memref_slice %arg7[%mul3A_2] : memref<5120xi32, #tpu.memory_space<hbm>> -> memref<160xi32, #tpu.memory_space<hbm>>
      tpu.wait_dma2 semaphore(%run_scoped3A : memref<!tpu.dma_semaphore, #tpu.memory_space<semaphore_mem>>) src(%dma_wait3A_281 : memref<160xi32, #tpu.memory_space<hbm>>) dst(%arg15 : memref<160xi32, #tpu.memory_space<vmem>>)
      tpu.yield
    }) : () -> ()
    "tpu.region"() ({
      %run_scoped3A = tpu.sem_alloc : memref<!tpu.dma_semaphore, #tpu.memory_space<semaphore_mem>>
      %dma_start3A = tpu.memref_slice %arg2[%mul3A_2] : memref<5120xf32, #tpu.memory_space<hbm>> -> memref<160xf32, #tpu.memory_space<hbm>>
      %dma_start3A_280 = tpu.memref_slice %arg2[%mul3A_2] : memref<5120xf32, #tpu.memory_space<hbm>> -> memref<160xf32, #tpu.memory_space<hbm>>
      tpu.enqueue_dma source(%dma_start3A_280 : memref<160xf32, #tpu.memory_space<hbm>>) target(%arg16 : memref<160xf32, #tpu.memory_space<vmem>>) target_semaphore(%run_scoped3A : memref<!tpu.dma_semaphore, #tpu.memory_space<semaphore_mem>>)
      %dma_wait3A = tpu.memref_slice %arg2[%mul3A_2] : memref<5120xf32, #tpu.memory_space<hbm>> -> memref<160xf32, #tpu.memory_space<hbm>>
      %dma_wait3A_281 = tpu.memref_slice %arg2[%mul3A_2] : memref<5120xf32, #tpu.memory_space<hbm>> -> memref<160xf32, #tpu.memory_space<hbm>>
      tpu.wait_dma2 semaphore(%run_scoped3A : memref<!tpu.dma_semaphore, #tpu.memory_space<semaphore_mem>>) src(%dma_wait3A_281 : memref<160xf32, #tpu.memory_space<hbm>>) dst(%arg16 : memref<160xf32, #tpu.memory_space<vmem>>)
      tpu.yield
    }) : () -> ()
    "tpu.region"() ({
      %run_scoped3A = tpu.sem_alloc : memref<!tpu.dma_semaphore, #tpu.memory_space<semaphore_mem>>
      %dma_start3A = tpu.memref_slice %arg3[%mul3A_2] : memref<5120xf32, #tpu.memory_space<hbm>> -> memref<160xf32, #tpu.memory_space<hbm>>
      %dma_start3A_280 = tpu.memref_slice %arg3[%mul3A_2] : memref<5120xf32, #tpu.memory_space<hbm>> -> memref<160xf32, #tpu.memory_space<hbm>>
      tpu.enqueue_dma source(%dma_start3A_280 : memref<160xf32, #tpu.memory_space<hbm>>) target(%arg17 : memref<160xf32, #tpu.memory_space<vmem>>) target_semaphore(%run_scoped3A : memref<!tpu.dma_semaphore, #tpu.memory_space<semaphore_mem>>)
      %dma_wait3A = tpu.memref_slice %arg3[%mul3A_2] : memref<5120xf32, #tpu.memory_space<hbm>> -> memref<160xf32, #tpu.memory_space<hbm>>
      %dma_wait3A_281 = tpu.memref_slice %arg3[%mul3A_2] : memref<5120xf32, #tpu.memory_space<hbm>> -> memref<160xf32, #tpu.memory_space<hbm>>
      tpu.wait_dma2 semaphore(%run_scoped3A : memref<!tpu.dma_semaphore, #tpu.memory_space<semaphore_mem>>) src(%dma_wait3A_281 : memref<160xf32, #tpu.memory_space<hbm>>) dst(%arg17 : memref<160xf32, #tpu.memory_space<vmem>>)
      tpu.yield
    }) : () -> ()
    "tpu.region"() ({
      %run_scoped3A = tpu.sem_alloc : memref<!tpu.dma_semaphore, #tpu.memory_space<semaphore_mem>>
      %dma_start3A = tpu.memref_slice %arg4[%mul3A_2] : memref<5120xf32, #tpu.memory_space<hbm>> -> memref<160xf32, #tpu.memory_space<hbm>>
      %dma_start3A_280 = tpu.memref_slice %arg4[%mul3A_2] : memref<5120xf32, #tpu.memory_space<hbm>> -> memref<160xf32, #tpu.memory_space<hbm>>
      tpu.enqueue_dma source(%dma_start3A_280 : memref<160xf32, #tpu.memory_space<hbm>>) target(%arg18 : memref<160xf32, #tpu.memory_space<vmem>>) target_semaphore(%run_scoped3A : memref<!tpu.dma_semaphore, #tpu.memory_space<semaphore_mem>>)
      %dma_wait3A = tpu.memref_slice %arg4[%mul3A_2] : memref<5120xf32, #tpu.memory_space<hbm>> -> memref<160xf32, #tpu.memory_space<hbm>>
      %dma_wait3A_281 = tpu.memref_slice %arg4[%mul3A_2] : memref<5120xf32, #tpu.memory_space<hbm>> -> memref<160xf32, #tpu.memory_space<hbm>>
      tpu.wait_dma2 semaphore(%run_scoped3A : memref<!tpu.dma_semaphore, #tpu.memory_space<semaphore_mem>>) src(%dma_wait3A_281 : memref<160xf32, #tpu.memory_space<hbm>>) dst(%arg18 : memref<160xf32, #tpu.memory_space<vmem>>)
      tpu.yield
    }) : () -> ()
    "tpu.region"() ({
      %run_scoped3A = tpu.sem_alloc : memref<!tpu.dma_semaphore, #tpu.memory_space<semaphore_mem>>
      %dma_start3A = tpu.memref_slice %arg5[%mul3A_2] : memref<5120xf32, #tpu.memory_space<hbm>> -> memref<160xf32, #tpu.memory_space<hbm>>
      %dma_start3A_280 = tpu.memref_slice %arg5[%mul3A_2] : memref<5120xf32, #tpu.memory_space<hbm>> -> memref<160xf32, #tpu.memory_space<hbm>>
      tpu.enqueue_dma source(%dma_start3A_280 : memref<160xf32, #tpu.memory_space<hbm>>) target(%arg19 : memref<160xf32, #tpu.memory_space<vmem>>) target_semaphore(%run_scoped3A : memref<!tpu.dma_semaphore, #tpu.memory_space<semaphore_mem>>)
      %dma_wait3A = tpu.memref_slice %arg5[%mul3A_2] : memref<5120xf32, #tpu.memory_space<hbm>> -> memref<160xf32, #tpu.memory_space<hbm>>
      %dma_wait3A_281 = tpu.memref_slice %arg5[%mul3A_2] : memref<5120xf32, #tpu.memory_space<hbm>> -> memref<160xf32, #tpu.memory_space<hbm>>
      tpu.wait_dma2 semaphore(%run_scoped3A : memref<!tpu.dma_semaphore, #tpu.memory_space<semaphore_mem>>) src(%dma_wait3A_281 : memref<160xf32, #tpu.memory_space<hbm>>) dst(%arg19 : memref<160xf32, #tpu.memory_space<vmem>>)
      tpu.yield
    }) : () -> ()
    "tpu.region"() ({
      %run_scoped3A = tpu.sem_alloc : memref<!tpu.dma_semaphore, #tpu.memory_space<semaphore_mem>>
      %dma_start3A = tpu.memref_slice %arg6[%mul3A_2] : memref<5120xf32, #tpu.memory_space<hbm>> -> memref<160xf32, #tpu.memory_space<hbm>>
      %dma_start3A_280 = tpu.memref_slice %arg6[%mul3A_2] : memref<5120xf32, #tpu.memory_space<hbm>> -> memref<160xf32, #tpu.memory_space<hbm>>
      tpu.enqueue_dma source(%dma_start3A_280 : memref<160xf32, #tpu.memory_space<hbm>>) target(%arg20 : memref<160xf32, #tpu.memory_space<vmem>>) target_semaphore(%run_scoped3A : memref<!tpu.dma_semaphore, #tpu.memory_space<semaphore_mem>>)
      %dma_wait3A = tpu.memref_slice %arg6[%mul3A_2] : memref<5120xf32, #tpu.memory_space<hbm>> -> memref<160xf32, #tpu.memory_space<hbm>>
      %dma_wait3A_281 = tpu.memref_slice %arg6[%mul3A_2] : memref<5120xf32, #tpu.memory_space<hbm>> -> memref<160xf32, #tpu.memory_space<hbm>>
      tpu.wait_dma2 semaphore(%run_scoped3A : memref<!tpu.dma_semaphore, #tpu.memory_space<semaphore_mem>>) src(%dma_wait3A_281 : memref<160xf32, #tpu.memory_space<hbm>>) dst(%arg20 : memref<160xf32, #tpu.memory_space<vmem>>)
      tpu.yield
    }) : () -> ()
    %get3A = arith.constant 0 : index
    %get3A_3 = tpu.vector_load %arg15[%get3A] {strides = array<i32>} : memref<160xi32, #tpu.memory_space<vmem>>, vector<16xi32>,
    %gather3A = tpu.vector_load_idx %arg14[%get3A_3] : memref<5120xf32, #tpu.memory_space<vmem>>[vector<16xi32>], vector<16xf32>,
    %get3A_4 = arith.constant 0 : index
    %get3A_5 = tpu.vector_load %arg16[%get3A_4] {strides = array<i32>} : memref<160xf32, #tpu.memory_space<vmem>>, vector<16xf32>,
    %mul3A_6 = arith.mulf %get3A_5, %gather3A : vector<16xf32>
    %swap3A = arith.constant 0 : index
    %swap3A_7 = tpu.vector_load %arg21[%swap3A] {strides = array<i32>} : memref<160xf32, #tpu.memory_space<vmem>>, vector<16xf32>,
    tpu.vector_store %arg21[%swap3A], %mul3A_6 {strides = array<i32>} : memref<160xf32, #tpu.memory_space<vmem>>, vector<16xf32>,
    %get3A_8 = arith.constant 0 : index
    %get3A_9 = tpu.vector_load %arg17[%get3A_8] {strides = array<i32>} : memref<160xf32, #tpu.memory_space<vmem>>, vector<16xf32>,
    %mul3A_10 = arith.mulf %get3A_9, %gather3A : vector<16xf32>
    %swap3A_11 = arith.constant 0 : index
    %swap3A_12 = tpu.vector_load %arg22[%swap3A_11] {strides = array<i32>} : memref<160xf32, #tpu.memory_space<vmem>>, vector<16xf32>,
    tpu.vector_store %arg22[%swap3A_11], %mul3A_10 {strides = array<i32>} : memref<160xf32, #tpu.memory_space<vmem>>, vector<16xf32>,
    %get3A_13 = arith.constant 0 : index
    %get3A_14 = tpu.vector_load %arg18[%get3A_13] {strides = array<i32>} : memref<160xf32, #tpu.memory_space<vmem>>, vector<16xf32>,
    %mul3A_15 = arith.mulf %get3A_14, %gather3A : vector<16xf32>
    %swap3A_16 = arith.constant 0 : index
    %swap3A_17 = tpu.vector_load %arg23[%swap3A_16] {strides = array<i32>} : memref<160xf32, #tpu.memory_space<vmem>>, vector<16xf32>,
    tpu.vector_store %arg23[%swap3A_16], %mul3A_15 {strides = array<i32>} : memref<160xf32, #tpu.memory_space<vmem>>, vector<16xf32>,
    %get3A_18 = arith.constant 0 : index
    %get3A_19 = tpu.vector_load %arg19[%get3A_18] {strides = array<i32>} : memref<160xf32, #tpu.memory_space<vmem>>, vector<16xf32>,
    %mul3A_20 = arith.mulf %get3A_19, %gather3A : vector<16xf32>
    %swap3A_21 = arith.constant 0 : index
    %swap3A_22 = tpu.vector_load %arg24[%swap3A_21] {strides = array<i32>} : memref<160xf32, #tpu.memory_space<vmem>>, vector<16xf32>,
    tpu.vector_store %arg24[%swap3A_21], %mul3A_20 {strides = array<i32>} : memref<160xf32, #tpu.memory_space<vmem>>, vector<16xf32>,
    %get3A_23 = arith.constant 0 : index
    %get3A_24 = tpu.vector_load %arg20[%get3A_23] {strides = array<i32>} : memref<160xf32, #tpu.memory_space<vmem>>, vector<16xf32>,
    %mul3A_25 = arith.mulf %get3A_24, %gather3A : vector<16xf32>
    %swap3A_26 = arith.constant 0 : index
    %swap3A_27 = tpu.vector_load %arg25[%swap3A_26] {strides = array<i32>} : memref<160xf32, #tpu.memory_space<vmem>>, vector<16xf32>,
    tpu.vector_store %arg25[%swap3A_26], %mul3A_25 {strides = array<i32>} : memref<160xf32, #tpu.memory_space<vmem>>, vector<16xf32>,
    %get3A_28 = arith.constant 16 : index
    %get3A_29 = tpu.vector_load %arg15[%get3A_28] {strides = array<i32>} : memref<160xi32, #tpu.memory_space<vmem>>, vector<16xi32>,
    %gather3A_30 = tpu.vector_load_idx %arg14[%get3A_29] : memref<5120xf32, #tpu.memory_space<vmem>>[vector<16xi32>], vector<16xf32>,
    %get3A_31 = arith.constant 16 : index
    %get3A_32 = tpu.vector_load %arg16[%get3A_31] {strides = array<i32>} : memref<160xf32, #tpu.memory_space<vmem>>, vector<16xf32>,
    %mul3A_33 = arith.mulf %get3A_32, %gather3A_30 : vector<16xf32>
    %swap3A_34 = arith.constant 16 : index
    %swap3A_35 = tpu.vector_load %arg21[%swap3A_34] {strides = array<i32>} : memref<160xf32, #tpu.memory_space<vmem>>, vector<16xf32>,
    tpu.vector_store %arg21[%swap3A_34], %mul3A_33 {strides = array<i32>} : memref<160xf32, #tpu.memory_space<vmem>>, vector<16xf32>,
    %get3A_36 = arith.constant 16 : index
    %get3A_37 = tpu.vector_load %arg17[%get3A_36] {strides = array<i32>} : memref<160xf32, #tpu.memory_space<vmem>>, vector<16xf32>,
    %mul3A_38 = arith.mulf %get3A_37, %gather3A_30 : vector<16xf32>
    %swap3A_39 = arith.constant 16 : index
    %swap3A_40 = tpu.vector_load %arg22[%swap3A_39] {strides = array<i32>} : memref<160xf32, #tpu.memory_space<vmem>>, vector<16xf32>,
    tpu.vector_store %arg22[%swap3A_39], %mul3A_38 {strides = array<i32>} : memref<160xf32, #tpu.memory_space<vmem>>, vector<16xf32>,
    %get3A_41 = arith.constant 16 : index
    %get3A_42 = tpu.vector_load %arg18[%get3A_41] {strides = array<i32>} : memref<160xf32, #tpu.memory_space<vmem>>, vector<16xf32>,
    %mul3A_43 = arith.mulf %get3A_42, %gather3A_30 : vector<16xf32>
    %swap3A_44 = arith.constant 16 : index
    %swap3A_45 = tpu.vector_load %arg23[%swap3A_44] {strides = array<i32>} : memref<160xf32, #tpu.memory_space<vmem>>, vector<16xf32>,
    tpu.vector_store %arg23[%swap3A_44], %mul3A_43 {strides = array<i32>} : memref<160xf32, #tpu.memory_space<vmem>>, vector<16xf32>,
    %get3A_46 = arith.constant 16 : index
    %get3A_47 = tpu.vector_load %arg19[%get3A_46] {strides = array<i32>} : memref<160xf32, #tpu.memory_space<vmem>>, vector<16xf32>,
    %mul3A_48 = arith.mulf %get3A_47, %gather3A_30 : vector<16xf32>
    %swap3A_49 = arith.constant 16 : index
    %swap3A_50 = tpu.vector_load %arg24[%swap3A_49] {strides = array<i32>} : memref<160xf32, #tpu.memory_space<vmem>>, vector<16xf32>,
    tpu.vector_store %arg24[%swap3A_49], %mul3A_48 {strides = array<i32>} : memref<160xf32, #tpu.memory_space<vmem>>, vector<16xf32>,
    %get3A_51 = arith.constant 16 : index
    %get3A_52 = tpu.vector_load %arg20[%get3A_51] {strides = array<i32>} : memref<160xf32, #tpu.memory_space<vmem>>, vector<16xf32>,
    %mul3A_53 = arith.mulf %get3A_52, %gather3A_30 : vector<16xf32>
    %swap3A_54 = arith.constant 16 : index
    %swap3A_55 = tpu.vector_load %arg25[%swap3A_54] {strides = array<i32>} : memref<160xf32, #tpu.memory_space<vmem>>, vector<16xf32>,
    tpu.vector_store %arg25[%swap3A_54], %mul3A_53 {strides = array<i32>} : memref<160xf32, #tpu.memory_space<vmem>>, vector<16xf32>,
    %get3A_56 = arith.constant 32 : index
    %get3A_57 = tpu.vector_load %arg15[%get3A_56] {strides = array<i32>} : memref<160xi32, #tpu.memory_space<vmem>>, vector<16xi32>,
    %gather3A_58 = tpu.vector_load_idx %arg14[%get3A_57] : memref<5120xf32, #tpu.memory_space<vmem>>[vector<16xi32>], vector<16xf32>,
    %get3A_59 = arith.constant 32 : index
    %get3A_60 = tpu.vector_load %arg16[%get3A_59] {strides = array<i32>} : memref<160xf32, #tpu.memory_space<vmem>>, vector<16xf32>,
    %mul3A_61 = arith.mulf %get3A_60, %gather3A_58 : vector<16xf32>
    %swap3A_62 = arith.constant 32 : index
    %swap3A_63 = tpu.vector_load %arg21[%swap3A_62] {strides = array<i32>} : memref<160xf32, #tpu.memory_space<vmem>>, vector<16xf32>,
    tpu.vector_store %arg21[%swap3A_62], %mul3A_61 {strides = array<i32>} : memref<160xf32, #tpu.memory_space<vmem>>, vector<16xf32>,
    %get3A_64 = arith.constant 32 : index
    %get3A_65 = tpu.vector_load %arg17[%get3A_64] {strides = array<i32>} : memref<160xf32, #tpu.memory_space<vmem>>, vector<16xf32>,
    %mul3A_66 = arith.mulf %get3A_65, %gather3A_58 : vector<16xf32>
    %swap3A_67 = arith.constant 32 : index
    %swap3A_68 = tpu.vector_load %arg22[%swap3A_67] {strides = array<i32>} : memref<160xf32, #tpu.memory_space<vmem>>, vector<16xf32>,
    tpu.vector_store %arg22[%swap3A_67], %mul3A_66 {strides = array<i32>} : memref<160xf32, #tpu.memory_space<vmem>>, vector<16xf32>,
    %get3A_69 = arith.constant 32 : index
    %get3A_70 = tpu.vector_load %arg18[%get3A_69] {strides = array<i32>} : memref<160xf32, #tpu.memory_space<vmem>>, vector<16xf32>,
    %mul3A_71 = arith.mulf %get3A_70, %gather3A_58 : vector<16xf32>
    %swap3A_72 = arith.constant 32 : index
    %swap3A_73 = tpu.vector_load %arg23[%swap3A_72] {strides = array<i32>} : memref<160xf32, #tpu.memory_space<vmem>>, vector<16xf32>,
    tpu.vector_store %arg23[%swap3A_72], %mul3A_71 {strides = array<i32>} : memref<160xf32, #tpu.memory_space<vmem>>, vector<16xf32>,
    %get3A_74 = arith.constant 32 : index
    %get3A_75 = tpu.vector_load %arg19[%get3A_74] {strides = array<i32>} : memref<160xf32, #tpu.memory_space<vmem>>, vector<16xf32>,
    %mul3A_76 = arith.mulf %get3A_75, %gather3A_58 : vector<16xf32>
    %swap3A_77 = arith.constant 32 : index
    %swap3A_78 = tpu.vector_load %arg24[%swap3A_77] {strides = array<i32>} : memref<160xf32, #tpu.memory_space<vmem>>, vector<16xf32>,
    tpu.vector_store %arg24[%swap3A_77], %mul3A_76 {strides = array<i32>} : memref<160xf32, #tpu.memory_space<vmem>>, vector<16xf32>,
    %get3A_79 = arith.constant 32 : index
    %get3A_80 = tpu.vector_load %arg20[%get3A_79] {strides = array<i32>} : memref<160xf32, #tpu.memory_space<vmem>>, vector<16xf32>,
    %mul3A_81 = arith.mulf %get3A_80, %gather3A_58 : vector<16xf32>
    %swap3A_82 = arith.constant 32 : index
    %swap3A_83 = tpu.vector_load %arg25[%swap3A_82] {strides = array<i32>} : memref<160xf32, #tpu.memory_space<vmem>>, vector<16xf32>,
    tpu.vector_store %arg25[%swap3A_82], %mul3A_81 {strides = array<i32>} : memref<160xf32, #tpu.memory_space<vmem>>, vector<16xf32>,
    %get3A_84 = arith.constant 48 : index
    %get3A_85 = tpu.vector_load %arg15[%get3A_84] {strides = array<i32>} : memref<160xi32, #tpu.memory_space<vmem>>, vector<16xi32>,
    %gather3A_86 = tpu.vector_load_idx %arg14[%get3A_85] : memref<5120xf32, #tpu.memory_space<vmem>>[vector<16xi32>], vector<16xf32>,
    %get3A_87 = arith.constant 48 : index
    %get3A_88 = tpu.vector_load %arg16[%get3A_87] {strides = array<i32>} : memref<160xf32, #tpu.memory_space<vmem>>, vector<16xf32>,
    %mul3A_89 = arith.mulf %get3A_88, %gather3A_86 : vector<16xf32>
    %swap3A_90 = arith.constant 48 : index
    %swap3A_91 = tpu.vector_load %arg21[%swap3A_90] {strides = array<i32>} : memref<160xf32, #tpu.memory_space<vmem>>, vector<16xf32>,
    tpu.vector_store %arg21[%swap3A_90], %mul3A_89 {strides = array<i32>} : memref<160xf32, #tpu.memory_space<vmem>>, vector<16xf32>,
    %get3A_92 = arith.constant 48 : index
    %get3A_93 = tpu.vector_load %arg17[%get3A_92] {strides = array<i32>} : memref<160xf32, #tpu.memory_space<vmem>>, vector<16xf32>,
    %mul3A_94 = arith.mulf %get3A_93, %gather3A_86 : vector<16xf32>
    %swap3A_95 = arith.constant 48 : index
    %swap3A_96 = tpu.vector_load %arg22[%swap3A_95] {strides = array<i32>} : memref<160xf32, #tpu.memory_space<vmem>>, vector<16xf32>,
    tpu.vector_store %arg22[%swap3A_95], %mul3A_94 {strides = array<i32>} : memref<160xf32, #tpu.memory_space<vmem>>, vector<16xf32>,
    %get3A_97 = arith.constant 48 : index
    %get3A_98 = tpu.vector_load %arg18[%get3A_97] {strides = array<i32>} : memref<160xf32, #tpu.memory_space<vmem>>, vector<16xf32>,
    %mul3A_99 = arith.mulf %get3A_98, %gather3A_86 : vector<16xf32>
    %swap3A_100 = arith.constant 48 : index
    %swap3A_101 = tpu.vector_load %arg23[%swap3A_100] {strides = array<i32>} : memref<160xf32, #tpu.memory_space<vmem>>, vector<16xf32>,
    tpu.vector_store %arg23[%swap3A_100], %mul3A_99 {strides = array<i32>} : memref<160xf32, #tpu.memory_space<vmem>>, vector<16xf32>,
    %get3A_102 = arith.constant 48 : index
    %get3A_103 = tpu.vector_load %arg19[%get3A_102] {strides = array<i32>} : memref<160xf32, #tpu.memory_space<vmem>>, vector<16xf32>,
    %mul3A_104 = arith.mulf %get3A_103, %gather3A_86 : vector<16xf32>
    %swap3A_105 = arith.constant 48 : index
    %swap3A_106 = tpu.vector_load %arg24[%swap3A_105] {strides = array<i32>} : memref<160xf32, #tpu.memory_space<vmem>>, vector<16xf32>,
    tpu.vector_store %arg24[%swap3A_105], %mul3A_104 {strides = array<i32>} : memref<160xf32, #tpu.memory_space<vmem>>, vector<16xf32>,
    %get3A_107 = arith.constant 48 : index
    %get3A_108 = tpu.vector_load %arg20[%get3A_107] {strides = array<i32>} : memref<160xf32, #tpu.memory_space<vmem>>, vector<16xf32>,
    %mul3A_109 = arith.mulf %get3A_108, %gather3A_86 : vector<16xf32>
    %swap3A_110 = arith.constant 48 : index
    %swap3A_111 = tpu.vector_load %arg25[%swap3A_110] {strides = array<i32>} : memref<160xf32, #tpu.memory_space<vmem>>, vector<16xf32>,
    tpu.vector_store %arg25[%swap3A_110], %mul3A_109 {strides = array<i32>} : memref<160xf32, #tpu.memory_space<vmem>>, vector<16xf32>,
    %get3A_112 = arith.constant 64 : index
    %get3A_113 = tpu.vector_load %arg15[%get3A_112] {strides = array<i32>} : memref<160xi32, #tpu.memory_space<vmem>>, vector<16xi32>,
    %gather3A_114 = tpu.vector_load_idx %arg14[%get3A_113] : memref<5120xf32, #tpu.memory_space<vmem>>[vector<16xi32>], vector<16xf32>,
    %get3A_115 = arith.constant 64 : index
    %get3A_116 = tpu.vector_load %arg16[%get3A_115] {strides = array<i32>} : memref<160xf32, #tpu.memory_space<vmem>>, vector<16xf32>,
    %mul3A_117 = arith.mulf %get3A_116, %gather3A_114 : vector<16xf32>
    %swap3A_118 = arith.constant 64 : index
    %swap3A_119 = tpu.vector_load %arg21[%swap3A_118] {strides = array<i32>} : memref<160xf32, #tpu.memory_space<vmem>>, vector<16xf32>,
    tpu.vector_store %arg21[%swap3A_118], %mul3A_117 {strides = array<i32>} : memref<160xf32, #tpu.memory_space<vmem>>, vector<16xf32>,
    %get3A_120 = arith.constant 64 : index
    %get3A_121 = tpu.vector_load %arg17[%get3A_120] {strides = array<i32>} : memref<160xf32, #tpu.memory_space<vmem>>, vector<16xf32>,
    %mul3A_122 = arith.mulf %get3A_121, %gather3A_114 : vector<16xf32>
    %swap3A_123 = arith.constant 64 : index
    %swap3A_124 = tpu.vector_load %arg22[%swap3A_123] {strides = array<i32>} : memref<160xf32, #tpu.memory_space<vmem>>, vector<16xf32>,
    tpu.vector_store %arg22[%swap3A_123], %mul3A_122 {strides = array<i32>} : memref<160xf32, #tpu.memory_space<vmem>>, vector<16xf32>,
    %get3A_125 = arith.constant 64 : index
    %get3A_126 = tpu.vector_load %arg18[%get3A_125] {strides = array<i32>} : memref<160xf32, #tpu.memory_space<vmem>>, vector<16xf32>,
    %mul3A_127 = arith.mulf %get3A_126, %gather3A_114 : vector<16xf32>
    %swap3A_128 = arith.constant 64 : index
    %swap3A_129 = tpu.vector_load %arg23[%swap3A_128] {strides = array<i32>} : memref<160xf32, #tpu.memory_space<vmem>>, vector<16xf32>,
    tpu.vector_store %arg23[%swap3A_128], %mul3A_127 {strides = array<i32>} : memref<160xf32, #tpu.memory_space<vmem>>, vector<16xf32>,
    %get3A_130 = arith.constant 64 : index
    %get3A_131 = tpu.vector_load %arg19[%get3A_130] {strides = array<i32>} : memref<160xf32, #tpu.memory_space<vmem>>, vector<16xf32>,
    %mul3A_132 = arith.mulf %get3A_131, %gather3A_114 : vector<16xf32>
    %swap3A_133 = arith.constant 64 : index
    %swap3A_134 = tpu.vector_load %arg24[%swap3A_133] {strides = array<i32>} : memref<160xf32, #tpu.memory_space<vmem>>, vector<16xf32>,
    tpu.vector_store %arg24[%swap3A_133], %mul3A_132 {strides = array<i32>} : memref<160xf32, #tpu.memory_space<vmem>>, vector<16xf32>,
    %get3A_135 = arith.constant 64 : index
    %get3A_136 = tpu.vector_load %arg20[%get3A_135] {strides = array<i32>} : memref<160xf32, #tpu.memory_space<vmem>>, vector<16xf32>,
    %mul3A_137 = arith.mulf %get3A_136, %gather3A_114 : vector<16xf32>
    %swap3A_138 = arith.constant 64 : index
    %swap3A_139 = tpu.vector_load %arg25[%swap3A_138] {strides = array<i32>} : memref<160xf32, #tpu.memory_space<vmem>>, vector<16xf32>,
    tpu.vector_store %arg25[%swap3A_138], %mul3A_137 {strides = array<i32>} : memref<160xf32, #tpu.memory_space<vmem>>, vector<16xf32>,
    %get3A_140 = arith.constant 80 : index
    %get3A_141 = tpu.vector_load %arg15[%get3A_140] {strides = array<i32>} : memref<160xi32, #tpu.memory_space<vmem>>, vector<16xi32>,
    %gather3A_142 = tpu.vector_load_idx %arg14[%get3A_141] : memref<5120xf32, #tpu.memory_space<vmem>>[vector<16xi32>], vector<16xf32>,
    %get3A_143 = arith.constant 80 : index
    %get3A_144 = tpu.vector_load %arg16[%get3A_143] {strides = array<i32>} : memref<160xf32, #tpu.memory_space<vmem>>, vector<16xf32>,
    %mul3A_145 = arith.mulf %get3A_144, %gather3A_142 : vector<16xf32>
    %swap3A_146 = arith.constant 80 : index
    %swap3A_147 = tpu.vector_load %arg21[%swap3A_146] {strides = array<i32>} : memref<160xf32, #tpu.memory_space<vmem>>, vector<16xf32>,
    tpu.vector_store %arg21[%swap3A_146], %mul3A_145 {strides = array<i32>} : memref<160xf32, #tpu.memory_space<vmem>>, vector<16xf32>,
    %get3A_148 = arith.constant 80 : index
    %get3A_149 = tpu.vector_load %arg17[%get3A_148] {strides = array<i32>} : memref<160xf32, #tpu.memory_space<vmem>>, vector<16xf32>,
    %mul3A_150 = arith.mulf %get3A_149, %gather3A_142 : vector<16xf32>
    %swap3A_151 = arith.constant 80 : index
    %swap3A_152 = tpu.vector_load %arg22[%swap3A_151] {strides = array<i32>} : memref<160xf32, #tpu.memory_space<vmem>>, vector<16xf32>,
    tpu.vector_store %arg22[%swap3A_151], %mul3A_150 {strides = array<i32>} : memref<160xf32, #tpu.memory_space<vmem>>, vector<16xf32>,
    %get3A_153 = arith.constant 80 : index
    %get3A_154 = tpu.vector_load %arg18[%get3A_153] {strides = array<i32>} : memref<160xf32, #tpu.memory_space<vmem>>, vector<16xf32>,
    %mul3A_155 = arith.mulf %get3A_154, %gather3A_142 : vector<16xf32>
    %swap3A_156 = arith.constant 80 : index
    %swap3A_157 = tpu.vector_load %arg23[%swap3A_156] {strides = array<i32>} : memref<160xf32, #tpu.memory_space<vmem>>, vector<16xf32>,
    tpu.vector_store %arg23[%swap3A_156], %mul3A_155 {strides = array<i32>} : memref<160xf32, #tpu.memory_space<vmem>>, vector<16xf32>,
    %get3A_158 = arith.constant 80 : index
    %get3A_159 = tpu.vector_load %arg19[%get3A_158] {strides = array<i32>} : memref<160xf32, #tpu.memory_space<vmem>>, vector<16xf32>,
    %mul3A_160 = arith.mulf %get3A_159, %gather3A_142 : vector<16xf32>
    %swap3A_161 = arith.constant 80 : index
    %swap3A_162 = tpu.vector_load %arg24[%swap3A_161] {strides = array<i32>} : memref<160xf32, #tpu.memory_space<vmem>>, vector<16xf32>,
    tpu.vector_store %arg24[%swap3A_161], %mul3A_160 {strides = array<i32>} : memref<160xf32, #tpu.memory_space<vmem>>, vector<16xf32>,
    %get3A_163 = arith.constant 80 : index
    %get3A_164 = tpu.vector_load %arg20[%get3A_163] {strides = array<i32>} : memref<160xf32, #tpu.memory_space<vmem>>, vector<16xf32>,
    %mul3A_165 = arith.mulf %get3A_164, %gather3A_142 : vector<16xf32>
    %swap3A_166 = arith.constant 80 : index
    %swap3A_167 = tpu.vector_load %arg25[%swap3A_166] {strides = array<i32>} : memref<160xf32, #tpu.memory_space<vmem>>, vector<16xf32>,
    tpu.vector_store %arg25[%swap3A_166], %mul3A_165 {strides = array<i32>} : memref<160xf32, #tpu.memory_space<vmem>>, vector<16xf32>,
    %get3A_168 = arith.constant 96 : index
    %get3A_169 = tpu.vector_load %arg15[%get3A_168] {strides = array<i32>} : memref<160xi32, #tpu.memory_space<vmem>>, vector<16xi32>,
    %gather3A_170 = tpu.vector_load_idx %arg14[%get3A_169] : memref<5120xf32, #tpu.memory_space<vmem>>[vector<16xi32>], vector<16xf32>,
    %get3A_171 = arith.constant 96 : index
    %get3A_172 = tpu.vector_load %arg16[%get3A_171] {strides = array<i32>} : memref<160xf32, #tpu.memory_space<vmem>>, vector<16xf32>,
    %mul3A_173 = arith.mulf %get3A_172, %gather3A_170 : vector<16xf32>
    %swap3A_174 = arith.constant 96 : index
    %swap3A_175 = tpu.vector_load %arg21[%swap3A_174] {strides = array<i32>} : memref<160xf32, #tpu.memory_space<vmem>>, vector<16xf32>,
    tpu.vector_store %arg21[%swap3A_174], %mul3A_173 {strides = array<i32>} : memref<160xf32, #tpu.memory_space<vmem>>, vector<16xf32>,
    %get3A_176 = arith.constant 96 : index
    %get3A_177 = tpu.vector_load %arg17[%get3A_176] {strides = array<i32>} : memref<160xf32, #tpu.memory_space<vmem>>, vector<16xf32>,
    %mul3A_178 = arith.mulf %get3A_177, %gather3A_170 : vector<16xf32>
    %swap3A_179 = arith.constant 96 : index
    %swap3A_180 = tpu.vector_load %arg22[%swap3A_179] {strides = array<i32>} : memref<160xf32, #tpu.memory_space<vmem>>, vector<16xf32>,
    tpu.vector_store %arg22[%swap3A_179], %mul3A_178 {strides = array<i32>} : memref<160xf32, #tpu.memory_space<vmem>>, vector<16xf32>,
    %get3A_181 = arith.constant 96 : index
    %get3A_182 = tpu.vector_load %arg18[%get3A_181] {strides = array<i32>} : memref<160xf32, #tpu.memory_space<vmem>>, vector<16xf32>,
    %mul3A_183 = arith.mulf %get3A_182, %gather3A_170 : vector<16xf32>
    %swap3A_184 = arith.constant 96 : index
    %swap3A_185 = tpu.vector_load %arg23[%swap3A_184] {strides = array<i32>} : memref<160xf32, #tpu.memory_space<vmem>>, vector<16xf32>,
    tpu.vector_store %arg23[%swap3A_184], %mul3A_183 {strides = array<i32>} : memref<160xf32, #tpu.memory_space<vmem>>, vector<16xf32>,
    %get3A_186 = arith.constant 96 : index
    %get3A_187 = tpu.vector_load %arg19[%get3A_186] {strides = array<i32>} : memref<160xf32, #tpu.memory_space<vmem>>, vector<16xf32>,
    %mul3A_188 = arith.mulf %get3A_187, %gather3A_170 : vector<16xf32>
    %swap3A_189 = arith.constant 96 : index
    %swap3A_190 = tpu.vector_load %arg24[%swap3A_189] {strides = array<i32>} : memref<160xf32, #tpu.memory_space<vmem>>, vector<16xf32>,
    tpu.vector_store %arg24[%swap3A_189], %mul3A_188 {strides = array<i32>} : memref<160xf32, #tpu.memory_space<vmem>>, vector<16xf32>,
    %get3A_191 = arith.constant 96 : index
    %get3A_192 = tpu.vector_load %arg20[%get3A_191] {strides = array<i32>} : memref<160xf32, #tpu.memory_space<vmem>>, vector<16xf32>,
    %mul3A_193 = arith.mulf %get3A_192, %gather3A_170 : vector<16xf32>
    %swap3A_194 = arith.constant 96 : index
    %swap3A_195 = tpu.vector_load %arg25[%swap3A_194] {strides = array<i32>} : memref<160xf32, #tpu.memory_space<vmem>>, vector<16xf32>,
    tpu.vector_store %arg25[%swap3A_194], %mul3A_193 {strides = array<i32>} : memref<160xf32, #tpu.memory_space<vmem>>, vector<16xf32>,
    %get3A_196 = arith.constant 112 : index
    %get3A_197 = tpu.vector_load %arg15[%get3A_196] {strides = array<i32>} : memref<160xi32, #tpu.memory_space<vmem>>, vector<16xi32>,
    %gather3A_198 = tpu.vector_load_idx %arg14[%get3A_197] : memref<5120xf32, #tpu.memory_space<vmem>>[vector<16xi32>], vector<16xf32>,
    %get3A_199 = arith.constant 112 : index
    %get3A_200 = tpu.vector_load %arg16[%get3A_199] {strides = array<i32>} : memref<160xf32, #tpu.memory_space<vmem>>, vector<16xf32>,
    %mul3A_201 = arith.mulf %get3A_200, %gather3A_198 : vector<16xf32>
    %swap3A_202 = arith.constant 112 : index
    %swap3A_203 = tpu.vector_load %arg21[%swap3A_202] {strides = array<i32>} : memref<160xf32, #tpu.memory_space<vmem>>, vector<16xf32>,
    tpu.vector_store %arg21[%swap3A_202], %mul3A_201 {strides = array<i32>} : memref<160xf32, #tpu.memory_space<vmem>>, vector<16xf32>,
    %get3A_204 = arith.constant 112 : index
    %get3A_205 = tpu.vector_load %arg17[%get3A_204] {strides = array<i32>} : memref<160xf32, #tpu.memory_space<vmem>>, vector<16xf32>,
    %mul3A_206 = arith.mulf %get3A_205, %gather3A_198 : vector<16xf32>
    %swap3A_207 = arith.constant 112 : index
    %swap3A_208 = tpu.vector_load %arg22[%swap3A_207] {strides = array<i32>} : memref<160xf32, #tpu.memory_space<vmem>>, vector<16xf32>,
    tpu.vector_store %arg22[%swap3A_207], %mul3A_206 {strides = array<i32>} : memref<160xf32, #tpu.memory_space<vmem>>, vector<16xf32>,
    %get3A_209 = arith.constant 112 : index
    %get3A_210 = tpu.vector_load %arg18[%get3A_209] {strides = array<i32>} : memref<160xf32, #tpu.memory_space<vmem>>, vector<16xf32>,
    %mul3A_211 = arith.mulf %get3A_210, %gather3A_198 : vector<16xf32>
    %swap3A_212 = arith.constant 112 : index
    %swap3A_213 = tpu.vector_load %arg23[%swap3A_212] {strides = array<i32>} : memref<160xf32, #tpu.memory_space<vmem>>, vector<16xf32>,
    tpu.vector_store %arg23[%swap3A_212], %mul3A_211 {strides = array<i32>} : memref<160xf32, #tpu.memory_space<vmem>>, vector<16xf32>,
    %get3A_214 = arith.constant 112 : index
    %get3A_215 = tpu.vector_load %arg19[%get3A_214] {strides = array<i32>} : memref<160xf32, #tpu.memory_space<vmem>>, vector<16xf32>,
    %mul3A_216 = arith.mulf %get3A_215, %gather3A_198 : vector<16xf32>
    %swap3A_217 = arith.constant 112 : index
    %swap3A_218 = tpu.vector_load %arg24[%swap3A_217] {strides = array<i32>} : memref<160xf32, #tpu.memory_space<vmem>>, vector<16xf32>,
    tpu.vector_store %arg24[%swap3A_217], %mul3A_216 {strides = array<i32>} : memref<160xf32, #tpu.memory_space<vmem>>, vector<16xf32>,
    %get3A_219 = arith.constant 112 : index
    %get3A_220 = tpu.vector_load %arg20[%get3A_219] {strides = array<i32>} : memref<160xf32, #tpu.memory_space<vmem>>, vector<16xf32>,
    %mul3A_221 = arith.mulf %get3A_220, %gather3A_198 : vector<16xf32>
    %swap3A_222 = arith.constant 112 : index
    %swap3A_223 = tpu.vector_load %arg25[%swap3A_222] {strides = array<i32>} : memref<160xf32, #tpu.memory_space<vmem>>, vector<16xf32>,
    tpu.vector_store %arg25[%swap3A_222], %mul3A_221 {strides = array<i32>} : memref<160xf32, #tpu.memory_space<vmem>>, vector<16xf32>,
    %get3A_224 = arith.constant 128 : index
    %get3A_225 = tpu.vector_load %arg15[%get3A_224] {strides = array<i32>} : memref<160xi32, #tpu.memory_space<vmem>>, vector<16xi32>,
    %gather3A_226 = tpu.vector_load_idx %arg14[%get3A_225] : memref<5120xf32, #tpu.memory_space<vmem>>[vector<16xi32>], vector<16xf32>,
    %get3A_227 = arith.constant 128 : index
    %get3A_228 = tpu.vector_load %arg16[%get3A_227] {strides = array<i32>} : memref<160xf32, #tpu.memory_space<vmem>>, vector<16xf32>,
    %mul3A_229 = arith.mulf %get3A_228, %gather3A_226 : vector<16xf32>
    %swap3A_230 = arith.constant 128 : index
    %swap3A_231 = tpu.vector_load %arg21[%swap3A_230] {strides = array<i32>} : memref<160xf32, #tpu.memory_space<vmem>>, vector<16xf32>,
    tpu.vector_store %arg21[%swap3A_230], %mul3A_229 {strides = array<i32>} : memref<160xf32, #tpu.memory_space<vmem>>, vector<16xf32>,
    %get3A_232 = arith.constant 128 : index
    %get3A_233 = tpu.vector_load %arg17[%get3A_232] {strides = array<i32>} : memref<160xf32, #tpu.memory_space<vmem>>, vector<16xf32>,
    %mul3A_234 = arith.mulf %get3A_233, %gather3A_226 : vector<16xf32>
    %swap3A_235 = arith.constant 128 : index
    %swap3A_236 = tpu.vector_load %arg22[%swap3A_235] {strides = array<i32>} : memref<160xf32, #tpu.memory_space<vmem>>, vector<16xf32>,
    tpu.vector_store %arg22[%swap3A_235], %mul3A_234 {strides = array<i32>} : memref<160xf32, #tpu.memory_space<vmem>>, vector<16xf32>,
    %get3A_237 = arith.constant 128 : index
    %get3A_238 = tpu.vector_load %arg18[%get3A_237] {strides = array<i32>} : memref<160xf32, #tpu.memory_space<vmem>>, vector<16xf32>,
    %mul3A_239 = arith.mulf %get3A_238, %gather3A_226 : vector<16xf32>
    %swap3A_240 = arith.constant 128 : index
    %swap3A_241 = tpu.vector_load %arg23[%swap3A_240] {strides = array<i32>} : memref<160xf32, #tpu.memory_space<vmem>>, vector<16xf32>,
    tpu.vector_store %arg23[%swap3A_240], %mul3A_239 {strides = array<i32>} : memref<160xf32, #tpu.memory_space<vmem>>, vector<16xf32>,
    %get3A_242 = arith.constant 128 : index
    %get3A_243 = tpu.vector_load %arg19[%get3A_242] {strides = array<i32>} : memref<160xf32, #tpu.memory_space<vmem>>, vector<16xf32>,
    %mul3A_244 = arith.mulf %get3A_243, %gather3A_226 : vector<16xf32>
    %swap3A_245 = arith.constant 128 : index
    %swap3A_246 = tpu.vector_load %arg24[%swap3A_245] {strides = array<i32>} : memref<160xf32, #tpu.memory_space<vmem>>, vector<16xf32>,
    tpu.vector_store %arg24[%swap3A_245], %mul3A_244 {strides = array<i32>} : memref<160xf32, #tpu.memory_space<vmem>>, vector<16xf32>,
    %get3A_247 = arith.constant 128 : index
    %get3A_248 = tpu.vector_load %arg20[%get3A_247] {strides = array<i32>} : memref<160xf32, #tpu.memory_space<vmem>>, vector<16xf32>,
    %mul3A_249 = arith.mulf %get3A_248, %gather3A_226 : vector<16xf32>
    %swap3A_250 = arith.constant 128 : index
    %swap3A_251 = tpu.vector_load %arg25[%swap3A_250] {strides = array<i32>} : memref<160xf32, #tpu.memory_space<vmem>>, vector<16xf32>,
    tpu.vector_store %arg25[%swap3A_250], %mul3A_249 {strides = array<i32>} : memref<160xf32, #tpu.memory_space<vmem>>, vector<16xf32>,
    %get3A_252 = arith.constant 144 : index
    %get3A_253 = tpu.vector_load %arg15[%get3A_252] {strides = array<i32>} : memref<160xi32, #tpu.memory_space<vmem>>, vector<16xi32>,
    %gather3A_254 = tpu.vector_load_idx %arg14[%get3A_253] : memref<5120xf32, #tpu.memory_space<vmem>>[vector<16xi32>], vector<16xf32>,
    %get3A_255 = arith.constant 144 : index
    %get3A_256 = tpu.vector_load %arg16[%get3A_255] {strides = array<i32>} : memref<160xf32, #tpu.memory_space<vmem>>, vector<16xf32>,
    %mul3A_257 = arith.mulf %get3A_256, %gather3A_254 : vector<16xf32>
    %swap3A_258 = arith.constant 144 : index
    %swap3A_259 = tpu.vector_load %arg21[%swap3A_258] {strides = array<i32>} : memref<160xf32, #tpu.memory_space<vmem>>, vector<16xf32>,
    tpu.vector_store %arg21[%swap3A_258], %mul3A_257 {strides = array<i32>} : memref<160xf32, #tpu.memory_space<vmem>>, vector<16xf32>,
    %get3A_260 = arith.constant 144 : index
    %get3A_261 = tpu.vector_load %arg17[%get3A_260] {strides = array<i32>} : memref<160xf32, #tpu.memory_space<vmem>>, vector<16xf32>,
    %mul3A_262 = arith.mulf %get3A_261, %gather3A_254 : vector<16xf32>
    %swap3A_263 = arith.constant 144 : index
    %swap3A_264 = tpu.vector_load %arg22[%swap3A_263] {strides = array<i32>} : memref<160xf32, #tpu.memory_space<vmem>>, vector<16xf32>,
    tpu.vector_store %arg22[%swap3A_263], %mul3A_262 {strides = array<i32>} : memref<160xf32, #tpu.memory_space<vmem>>, vector<16xf32>,
    %get3A_265 = arith.constant 144 : index
    %get3A_266 = tpu.vector_load %arg18[%get3A_265] {strides = array<i32>} : memref<160xf32, #tpu.memory_space<vmem>>, vector<16xf32>,
    %mul3A_267 = arith.mulf %get3A_266, %gather3A_254 : vector<16xf32>
    %swap3A_268 = arith.constant 144 : index
    %swap3A_269 = tpu.vector_load %arg23[%swap3A_268] {strides = array<i32>} : memref<160xf32, #tpu.memory_space<vmem>>, vector<16xf32>,
    tpu.vector_store %arg23[%swap3A_268], %mul3A_267 {strides = array<i32>} : memref<160xf32, #tpu.memory_space<vmem>>, vector<16xf32>,
    %get3A_270 = arith.constant 144 : index
    %get3A_271 = tpu.vector_load %arg19[%get3A_270] {strides = array<i32>} : memref<160xf32, #tpu.memory_space<vmem>>, vector<16xf32>,
    %mul3A_272 = arith.mulf %get3A_271, %gather3A_254 : vector<16xf32>
    %swap3A_273 = arith.constant 144 : index
    %swap3A_274 = tpu.vector_load %arg24[%swap3A_273] {strides = array<i32>} : memref<160xf32, #tpu.memory_space<vmem>>, vector<16xf32>,
    tpu.vector_store %arg24[%swap3A_273], %mul3A_272 {strides = array<i32>} : memref<160xf32, #tpu.memory_space<vmem>>, vector<16xf32>,
    %get3A_275 = arith.constant 144 : index
    %get3A_276 = tpu.vector_load %arg20[%get3A_275] {strides = array<i32>} : memref<160xf32, #tpu.memory_space<vmem>>, vector<16xf32>,
    %mul3A_277 = arith.mulf %get3A_276, %gather3A_254 : vector<16xf32>
    %swap3A_278 = arith.constant 144 : index
    %swap3A_279 = tpu.vector_load %arg25[%swap3A_278] {strides = array<i32>} : memref<160xf32, #tpu.memory_space<vmem>>, vector<16xf32>,
    tpu.vector_store %arg25[%swap3A_278], %mul3A_277 {strides = array<i32>} : memref<160xf32, #tpu.memory_space<vmem>>, vector<16xf32>,
    "tpu.region"() ({
      %run_scoped3A = tpu.sem_alloc : memref<!tpu.dma_semaphore, #tpu.memory_space<semaphore_mem>>
      %dma_start3A = tpu.memref_slice %arg9[%mul3A_2] : memref<5120xf32, #tpu.memory_space<hbm>> -> memref<160xf32, #tpu.memory_space<hbm>>
      %dma_start3A_280 = tpu.memref_slice %arg9[%mul3A_2] : memref<5120xf32, #tpu.memory_space<hbm>> -> memref<160xf32, #tpu.memory_space<hbm>>
      tpu.enqueue_dma source(%arg21 : memref<160xf32, #tpu.memory_space<vmem>>) target(%dma_start3A_280 : memref<160xf32, #tpu.memory_space<hbm>>) target_semaphore(%run_scoped3A : memref<!tpu.dma_semaphore, #tpu.memory_space<semaphore_mem>>)
      %dma_wait3A = tpu.memref_slice %arg9[%mul3A_2] : memref<5120xf32, #tpu.memory_space<hbm>> -> memref<160xf32, #tpu.memory_space<hbm>>
      %dma_wait3A_281 = tpu.memref_slice %arg9[%mul3A_2] : memref<5120xf32, #tpu.memory_space<hbm>> -> memref<160xf32, #tpu.memory_space<hbm>>
      tpu.wait_dma2 semaphore(%run_scoped3A : memref<!tpu.dma_semaphore, #tpu.memory_space<semaphore_mem>>) src(%arg21 : memref<160xf32, #tpu.memory_space<vmem>>) dst(%dma_wait3A_281 : memref<160xf32, #tpu.memory_space<hbm>>)
      tpu.yield
    }) : () -> ()
    "tpu.region"() ({
      %run_scoped3A = tpu.sem_alloc : memref<!tpu.dma_semaphore, #tpu.memory_space<semaphore_mem>>
      %dma_start3A = tpu.memref_slice %arg10[%mul3A_2] : memref<5120xf32, #tpu.memory_space<hbm>> -> memref<160xf32, #tpu.memory_space<hbm>>
      %dma_start3A_280 = tpu.memref_slice %arg10[%mul3A_2] : memref<5120xf32, #tpu.memory_space<hbm>> -> memref<160xf32, #tpu.memory_space<hbm>>
      tpu.enqueue_dma source(%arg22 : memref<160xf32, #tpu.memory_space<vmem>>) target(%dma_start3A_280 : memref<160xf32, #tpu.memory_space<hbm>>) target_semaphore(%run_scoped3A : memref<!tpu.dma_semaphore, #tpu.memory_space<semaphore_mem>>)
      %dma_wait3A = tpu.memref_slice %arg10[%mul3A_2] : memref<5120xf32, #tpu.memory_space<hbm>> -> memref<160xf32, #tpu.memory_space<hbm>>
      %dma_wait3A_281 = tpu.memref_slice %arg10[%mul3A_2] : memref<5120xf32, #tpu.memory_space<hbm>> -> memref<160xf32, #tpu.memory_space<hbm>>
      tpu.wait_dma2 semaphore(%run_scoped3A : memref<!tpu.dma_semaphore, #tpu.memory_space<semaphore_mem>>) src(%arg22 : memref<160xf32, #tpu.memory_space<vmem>>) dst(%dma_wait3A_281 : memref<160xf32, #tpu.memory_space<hbm>>)
      tpu.yield
    }) : () -> ()
    "tpu.region"() ({
      %run_scoped3A = tpu.sem_alloc : memref<!tpu.dma_semaphore, #tpu.memory_space<semaphore_mem>>
      %dma_start3A = tpu.memref_slice %arg11[%mul3A_2] : memref<5120xf32, #tpu.memory_space<hbm>> -> memref<160xf32, #tpu.memory_space<hbm>>
      %dma_start3A_280 = tpu.memref_slice %arg11[%mul3A_2] : memref<5120xf32, #tpu.memory_space<hbm>> -> memref<160xf32, #tpu.memory_space<hbm>>
      tpu.enqueue_dma source(%arg23 : memref<160xf32, #tpu.memory_space<vmem>>) target(%dma_start3A_280 : memref<160xf32, #tpu.memory_space<hbm>>) target_semaphore(%run_scoped3A : memref<!tpu.dma_semaphore, #tpu.memory_space<semaphore_mem>>)
      %dma_wait3A = tpu.memref_slice %arg11[%mul3A_2] : memref<5120xf32, #tpu.memory_space<hbm>> -> memref<160xf32, #tpu.memory_space<hbm>>
      %dma_wait3A_281 = tpu.memref_slice %arg11[%mul3A_2] : memref<5120xf32, #tpu.memory_space<hbm>> -> memref<160xf32, #tpu.memory_space<hbm>>
      tpu.wait_dma2 semaphore(%run_scoped3A : memref<!tpu.dma_semaphore, #tpu.memory_space<semaphore_mem>>) src(%arg23 : memref<160xf32, #tpu.memory_space<vmem>>) dst(%dma_wait3A_281 : memref<160xf32, #tpu.memory_space<hbm>>)
      tpu.yield
    }) : () -> ()
    "tpu.region"() ({
      %run_scoped3A = tpu.sem_alloc : memref<!tpu.dma_semaphore, #tpu.memory_space<semaphore_mem>>
      %dma_start3A = tpu.memref_slice %arg12[%mul3A_2] : memref<5120xf32, #tpu.memory_space<hbm>> -> memref<160xf32, #tpu.memory_space<hbm>>
      %dma_start3A_280 = tpu.memref_slice %arg12[%mul3A_2] : memref<5120xf32, #tpu.memory_space<hbm>> -> memref<160xf32, #tpu.memory_space<hbm>>
      tpu.enqueue_dma source(%arg24 : memref<160xf32, #tpu.memory_space<vmem>>) target(%dma_start3A_280 : memref<160xf32, #tpu.memory_space<hbm>>) target_semaphore(%run_scoped3A : memref<!tpu.dma_semaphore, #tpu.memory_space<semaphore_mem>>)
      %dma_wait3A = tpu.memref_slice %arg12[%mul3A_2] : memref<5120xf32, #tpu.memory_space<hbm>> -> memref<160xf32, #tpu.memory_space<hbm>>
      %dma_wait3A_281 = tpu.memref_slice %arg12[%mul3A_2] : memref<5120xf32, #tpu.memory_space<hbm>> -> memref<160xf32, #tpu.memory_space<hbm>>
      tpu.wait_dma2 semaphore(%run_scoped3A : memref<!tpu.dma_semaphore, #tpu.memory_space<semaphore_mem>>) src(%arg24 : memref<160xf32, #tpu.memory_space<vmem>>) dst(%dma_wait3A_281 : memref<160xf32, #tpu.memory_space<hbm>>)
      tpu.yield
    }) : () -> ()
    "tpu.region"() ({
      %run_scoped3A = tpu.sem_alloc : memref<!tpu.dma_semaphore, #tpu.memory_space<semaphore_mem>>
      %dma_start3A = tpu.memref_slice %arg13[%mul3A_2] : memref<5120xf32, #tpu.memory_space<hbm>> -> memref<160xf32, #tpu.memory_space<hbm>>
      %dma_start3A_280 = tpu.memref_slice %arg13[%mul3A_2] : memref<5120xf32, #tpu.memory_space<hbm>> -> memref<160xf32, #tpu.memory_space<hbm>>
      tpu.enqueue_dma source(%arg25 : memref<160xf32, #tpu.memory_space<vmem>>) target(%dma_start3A_280 : memref<160xf32, #tpu.memory_space<hbm>>) target_semaphore(%run_scoped3A : memref<!tpu.dma_semaphore, #tpu.memory_space<semaphore_mem>>)
      %dma_wait3A = tpu.memref_slice %arg13[%mul3A_2] : memref<5120xf32, #tpu.memory_space<hbm>> -> memref<160xf32, #tpu.memory_space<hbm>>
      %dma_wait3A_281 = tpu.memref_slice %arg13[%mul3A_2] : memref<5120xf32, #tpu.memory_space<hbm>> -> memref<160xf32, #tpu.memory_space<hbm>>
      tpu.wait_dma2 semaphore(%run_scoped3A : memref<!tpu.dma_semaphore, #tpu.memory_space<semaphore_mem>>) src(%arg25 : memref<160xf32, #tpu.memory_space<vmem>>) dst(%dma_wait3A_281 : memref<160xf32, #tpu.memory_space<hbm>>)
      tpu.yield
    }) : () -> ()
    return
  }
}

module attributes {stable_mosaic.version = 14 : i64} {
  func.func @_nms_body(%arg0: memref<5120x1xf32, #tpu.memory_space<vmem>>, %arg1: memref<5120x1xf32, #tpu.memory_space<vmem>>, %arg2: memref<5120x1xf32, #tpu.memory_space<vmem>>, %arg3: memref<5120x1xf32, #tpu.memory_space<vmem>>, %arg4: memref<5120x1xf32, #tpu.memory_space<vmem>>, %arg5: memref<1x5120xf32, #tpu.memory_space<vmem>>, %arg6: memref<1x5120xf32, #tpu.memory_space<vmem>>, %arg7: memref<1x5120xf32, #tpu.memory_space<vmem>>, %arg8: memref<1x5120xf32, #tpu.memory_space<vmem>>, %arg9: memref<1x5120xf32, #tpu.memory_space<vmem>>, %arg10: memref<1x5120xf32, #tpu.memory_space<vmem>>) attributes {dimension_semantics = [], scalar_prefetch = 0 : i64, scratch_operands = 0 : i64, tpu.core_type = #tpu.core_type<tc>} {
    %iota3A = tpu.iota {dimensions = array<i32: 0>} : vector<512x512xi32>
    %iota3A_0 = tpu.iota {dimensions = array<i32: 1>} : vector<512x512xi32>
    %lt3A = arith.cmpi slt, %iota3A, %iota3A_0 : vector<512x512xi32>
    %convert_element_type3A = arith.extui %lt3A : vector<512x512xi1> to vector<512x512xi32>
    %convert_element_type3A_1 = arith.sitofp %convert_element_type3A : vector<512x512xi32> to vector<512x512xf32>
    %scan3A = arith.constant 0 : i32
    %scan3A_2 = arith.constant 10 : i32
    %scan3A_3 = arith.addi %scan3A, %scan3A_2 : i32
    %scan3A_4 = arith.constant 1 : i32
    scf.for %scan3A_6 = %scan3A to %scan3A_3 step %scan3A_4  : i32 {
      %broadcast_in_dim3A = arith.constant 0.000000e+00 : f32
      %broadcast_in_dim3A_7 = vector.broadcast %broadcast_in_dim3A : f32 to vector<1x512xf32>
      %while3A = arith.constant 0 : i32
      %while3A_8 = arith.subi %scan3A_6, %while3A : i32
      %while3A_9 = arith.addi %while3A, %while3A_8 : i32
      %while3A_10 = arith.constant 1 : i32
      %while3A_11 = arith.divsi %while3A_8, %while3A_10 : i32
      %while3A_12 = arith.muli %while3A_11, %while3A_10 : i32
      %while3A_13 = arith.addi %while3A, %while3A_12 : i32
      %while3A_14 = arith.constant 1 : i32
      %while3A_15 = scf.for %while3A_89 = %while3A to %while3A_13 step %while3A_14 iter_args(%while3A_90 = %broadcast_in_dim3A_7) -> (vector<1x512xf32>)  : i32 {
        %mul3A_91 = arith.constant 512 : i32
        %mul3A_92 = arith.muli %while3A_89, %mul3A_91 : i32
        %mul3A_93 = arith.constant 512 : i32
        %mul3A_94 = arith.muli %scan3A_6, %mul3A_93 : i32
        %get3A_95 = arith.index_cast %mul3A_92 : i32 to index
        %get3A_96 = arith.constant 0 : index
        %get3A_97 = vector.load %arg0[%get3A_95, %get3A_96] : memref<5120x1xf32, #tpu.memory_space<vmem>>, vector<512x1xf32>
        %get3A_98 = arith.index_cast %mul3A_92 : i32 to index
        %get3A_99 = arith.constant 0 : index
        %get3A_100 = vector.load %arg1[%get3A_98, %get3A_99] : memref<5120x1xf32, #tpu.memory_space<vmem>>, vector<512x1xf32>
        %get3A_101 = arith.index_cast %mul3A_92 : i32 to index
        %get3A_102 = arith.constant 0 : index
        %get3A_103 = vector.load %arg2[%get3A_101, %get3A_102] : memref<5120x1xf32, #tpu.memory_space<vmem>>, vector<512x1xf32>
        %get3A_104 = arith.index_cast %mul3A_92 : i32 to index
        %get3A_105 = arith.constant 0 : index
        %get3A_106 = vector.load %arg3[%get3A_104, %get3A_105] : memref<5120x1xf32, #tpu.memory_space<vmem>>, vector<512x1xf32>
        %get3A_107 = arith.index_cast %mul3A_92 : i32 to index
        %get3A_108 = arith.constant 0 : index
        %get3A_109 = vector.load %arg4[%get3A_107, %get3A_108] : memref<5120x1xf32, #tpu.memory_space<vmem>>, vector<512x1xf32>
        %get3A_110 = arith.constant 0 : index
        %get3A_111 = arith.index_cast %mul3A_94 : i32 to index
        %get3A_112 = vector.load %arg5[%get3A_110, %get3A_111] : memref<1x5120xf32, #tpu.memory_space<vmem>>, vector<1x512xf32>
        %get3A_113 = arith.constant 0 : index
        %get3A_114 = arith.index_cast %mul3A_94 : i32 to index
        %get3A_115 = vector.load %arg6[%get3A_113, %get3A_114] : memref<1x5120xf32, #tpu.memory_space<vmem>>, vector<1x512xf32>
        %get3A_116 = arith.constant 0 : index
        %get3A_117 = arith.index_cast %mul3A_94 : i32 to index
        %get3A_118 = vector.load %arg7[%get3A_116, %get3A_117] : memref<1x5120xf32, #tpu.memory_space<vmem>>, vector<1x512xf32>
        %get3A_119 = arith.constant 0 : index
        %get3A_120 = arith.index_cast %mul3A_94 : i32 to index
        %get3A_121 = vector.load %arg8[%get3A_119, %get3A_120] : memref<1x5120xf32, #tpu.memory_space<vmem>>, vector<1x512xf32>
        %get3A_122 = arith.constant 0 : index
        %get3A_123 = arith.index_cast %mul3A_94 : i32 to index
        %get3A_124 = vector.load %arg9[%get3A_122, %get3A_123] : memref<1x5120xf32, #tpu.memory_space<vmem>>, vector<1x512xf32>
        %min3A_125 = vector.broadcast %get3A_103 : vector<512x1xf32> to vector<512x512xf32>
        %min3A_126 = vector.broadcast %get3A_118 : vector<1x512xf32> to vector<512x512xf32>
        %min3A_127 = arith.minimumf %min3A_125, %min3A_126 : vector<512x512xf32>
        %max3A_128 = vector.broadcast %get3A_97 : vector<512x1xf32> to vector<512x512xf32>
        %max3A_129 = vector.broadcast %get3A_112 : vector<1x512xf32> to vector<512x512xf32>
        %max3A_130 = arith.maximumf %max3A_128, %max3A_129 : vector<512x512xf32>
        %sub3A_131 = arith.subf %min3A_127, %max3A_130 : vector<512x512xf32>
        %max3A_132 = arith.constant 0.000000e+00 : f32
        %max3A_133 = vector.broadcast %max3A_132 : f32 to vector<512x512xf32>
        %max3A_134 = arith.maximumf %sub3A_131, %max3A_133 : vector<512x512xf32>
        %min3A_135 = vector.broadcast %get3A_106 : vector<512x1xf32> to vector<512x512xf32>
        %min3A_136 = vector.broadcast %get3A_121 : vector<1x512xf32> to vector<512x512xf32>
        %min3A_137 = arith.minimumf %min3A_135, %min3A_136 : vector<512x512xf32>
        %max3A_138 = vector.broadcast %get3A_100 : vector<512x1xf32> to vector<512x512xf32>
        %max3A_139 = vector.broadcast %get3A_115 : vector<1x512xf32> to vector<512x512xf32>
        %max3A_140 = arith.maximumf %max3A_138, %max3A_139 : vector<512x512xf32>
        %sub3A_141 = arith.subf %min3A_137, %max3A_140 : vector<512x512xf32>
        %max3A_142 = arith.constant 0.000000e+00 : f32
        %max3A_143 = vector.broadcast %max3A_142 : f32 to vector<512x512xf32>
        %max3A_144 = arith.maximumf %sub3A_141, %max3A_143 : vector<512x512xf32>
        %mul3A_145 = arith.mulf %max3A_134, %max3A_144 : vector<512x512xf32>
        %add3A_146 = vector.broadcast %get3A_109 : vector<512x1xf32> to vector<512x512xf32>
        %add3A_147 = vector.broadcast %get3A_124 : vector<1x512xf32> to vector<512x512xf32>
        %add3A_148 = arith.addf %add3A_146, %add3A_147 : vector<512x512xf32>
        %sub3A_149 = arith.subf %add3A_148, %mul3A_145 : vector<512x512xf32>
        %max3A_150 = arith.constant 9.99999971E-10 : f32
        %max3A_151 = vector.broadcast %max3A_150 : f32 to vector<512x512xf32>
        %max3A_152 = arith.maximumf %sub3A_149, %max3A_151 : vector<512x512xf32>
        %div3A_153 = arith.divf %mul3A_145, %max3A_152 : vector<512x512xf32>
        %gt3A_154 = arith.constant 0.699999988 : f32
        %gt3A_155 = vector.broadcast %gt3A_154 : f32 to vector<512x512xf32>
        %gt3A_156 = arith.cmpf ogt, %div3A_153, %gt3A_155 : vector<512x512xf32>
        %convert_element_type3A_157 = arith.extui %gt3A_156 : vector<512x512xi1> to vector<512x512xi32>
        %convert_element_type3A_158 = arith.sitofp %convert_element_type3A_157 : vector<512x512xi32> to vector<512x512xf32>
        %mul3A_159 = arith.constant 512 : i32
        %mul3A_160 = arith.muli %while3A_89, %mul3A_159 : i32
        %get3A_161 = arith.constant 0 : index
        %get3A_162 = arith.index_cast %mul3A_160 : i32 to index
        %get3A_163 = vector.load %arg10[%get3A_161, %get3A_162] : memref<1x5120xf32, #tpu.memory_space<vmem>>, vector<1x512xf32>
        %dot_general3A = arith.constant dense<0.000000e+00> : vector<1x512xf32>
        %dot_general3A_164 = tpu.matmul %get3A_163, %convert_element_type3A_158, %dot_general3A {dimension_numbers = #tpu.dot_dimension_numbers<[1], [0], [0], [1], [0, 0, 1, 1], [], []>, transpose_lhs_hint = false} : vector<1x512xf32>, vector<512x512xf32>, vector<1x512xf32> -> vector<1x512xf32>
        %add3A_165 = arith.addf %while3A_90, %dot_general3A_164 : vector<1x512xf32>
        scf.yield %add3A_165 : vector<1x512xf32>
      }
      %while3A_16 = arith.constant 1 : i32
      %while3A_17 = scf.for %while3A_89 = %while3A_13 to %while3A_9 step %while3A_16 iter_args(%while3A_90 = %while3A_15) -> (vector<1x512xf32>)  : i32 {
        %mul3A_91 = arith.constant 512 : i32
        %mul3A_92 = arith.muli %while3A_89, %mul3A_91 : i32
        %mul3A_93 = arith.constant 512 : i32
        %mul3A_94 = arith.muli %scan3A_6, %mul3A_93 : i32
        %get3A_95 = arith.index_cast %mul3A_92 : i32 to index
        %get3A_96 = arith.constant 0 : index
        %get3A_97 = vector.load %arg0[%get3A_95, %get3A_96] : memref<5120x1xf32, #tpu.memory_space<vmem>>, vector<512x1xf32>
        %get3A_98 = arith.index_cast %mul3A_92 : i32 to index
        %get3A_99 = arith.constant 0 : index
        %get3A_100 = vector.load %arg1[%get3A_98, %get3A_99] : memref<5120x1xf32, #tpu.memory_space<vmem>>, vector<512x1xf32>
        %get3A_101 = arith.index_cast %mul3A_92 : i32 to index
        %get3A_102 = arith.constant 0 : index
        %get3A_103 = vector.load %arg2[%get3A_101, %get3A_102] : memref<5120x1xf32, #tpu.memory_space<vmem>>, vector<512x1xf32>
        %get3A_104 = arith.index_cast %mul3A_92 : i32 to index
        %get3A_105 = arith.constant 0 : index
        %get3A_106 = vector.load %arg3[%get3A_104, %get3A_105] : memref<5120x1xf32, #tpu.memory_space<vmem>>, vector<512x1xf32>
        %get3A_107 = arith.index_cast %mul3A_92 : i32 to index
        %get3A_108 = arith.constant 0 : index
        %get3A_109 = vector.load %arg4[%get3A_107, %get3A_108] : memref<5120x1xf32, #tpu.memory_space<vmem>>, vector<512x1xf32>
        %get3A_110 = arith.constant 0 : index
        %get3A_111 = arith.index_cast %mul3A_94 : i32 to index
        %get3A_112 = vector.load %arg5[%get3A_110, %get3A_111] : memref<1x5120xf32, #tpu.memory_space<vmem>>, vector<1x512xf32>
        %get3A_113 = arith.constant 0 : index
        %get3A_114 = arith.index_cast %mul3A_94 : i32 to index
        %get3A_115 = vector.load %arg6[%get3A_113, %get3A_114] : memref<1x5120xf32, #tpu.memory_space<vmem>>, vector<1x512xf32>
        %get3A_116 = arith.constant 0 : index
        %get3A_117 = arith.index_cast %mul3A_94 : i32 to index
        %get3A_118 = vector.load %arg7[%get3A_116, %get3A_117] : memref<1x5120xf32, #tpu.memory_space<vmem>>, vector<1x512xf32>
        %get3A_119 = arith.constant 0 : index
        %get3A_120 = arith.index_cast %mul3A_94 : i32 to index
        %get3A_121 = vector.load %arg8[%get3A_119, %get3A_120] : memref<1x5120xf32, #tpu.memory_space<vmem>>, vector<1x512xf32>
        %get3A_122 = arith.constant 0 : index
        %get3A_123 = arith.index_cast %mul3A_94 : i32 to index
        %get3A_124 = vector.load %arg9[%get3A_122, %get3A_123] : memref<1x5120xf32, #tpu.memory_space<vmem>>, vector<1x512xf32>
        %min3A_125 = vector.broadcast %get3A_103 : vector<512x1xf32> to vector<512x512xf32>
        %min3A_126 = vector.broadcast %get3A_118 : vector<1x512xf32> to vector<512x512xf32>
        %min3A_127 = arith.minimumf %min3A_125, %min3A_126 : vector<512x512xf32>
        %max3A_128 = vector.broadcast %get3A_97 : vector<512x1xf32> to vector<512x512xf32>
        %max3A_129 = vector.broadcast %get3A_112 : vector<1x512xf32> to vector<512x512xf32>
        %max3A_130 = arith.maximumf %max3A_128, %max3A_129 : vector<512x512xf32>
        %sub3A_131 = arith.subf %min3A_127, %max3A_130 : vector<512x512xf32>
        %max3A_132 = arith.constant 0.000000e+00 : f32
        %max3A_133 = vector.broadcast %max3A_132 : f32 to vector<512x512xf32>
        %max3A_134 = arith.maximumf %sub3A_131, %max3A_133 : vector<512x512xf32>
        %min3A_135 = vector.broadcast %get3A_106 : vector<512x1xf32> to vector<512x512xf32>
        %min3A_136 = vector.broadcast %get3A_121 : vector<1x512xf32> to vector<512x512xf32>
        %min3A_137 = arith.minimumf %min3A_135, %min3A_136 : vector<512x512xf32>
        %max3A_138 = vector.broadcast %get3A_100 : vector<512x1xf32> to vector<512x512xf32>
        %max3A_139 = vector.broadcast %get3A_115 : vector<1x512xf32> to vector<512x512xf32>
        %max3A_140 = arith.maximumf %max3A_138, %max3A_139 : vector<512x512xf32>
        %sub3A_141 = arith.subf %min3A_137, %max3A_140 : vector<512x512xf32>
        %max3A_142 = arith.constant 0.000000e+00 : f32
        %max3A_143 = vector.broadcast %max3A_142 : f32 to vector<512x512xf32>
        %max3A_144 = arith.maximumf %sub3A_141, %max3A_143 : vector<512x512xf32>
        %mul3A_145 = arith.mulf %max3A_134, %max3A_144 : vector<512x512xf32>
        %add3A_146 = vector.broadcast %get3A_109 : vector<512x1xf32> to vector<512x512xf32>
        %add3A_147 = vector.broadcast %get3A_124 : vector<1x512xf32> to vector<512x512xf32>
        %add3A_148 = arith.addf %add3A_146, %add3A_147 : vector<512x512xf32>
        %sub3A_149 = arith.subf %add3A_148, %mul3A_145 : vector<512x512xf32>
        %max3A_150 = arith.constant 9.99999971E-10 : f32
        %max3A_151 = vector.broadcast %max3A_150 : f32 to vector<512x512xf32>
        %max3A_152 = arith.maximumf %sub3A_149, %max3A_151 : vector<512x512xf32>
        %div3A_153 = arith.divf %mul3A_145, %max3A_152 : vector<512x512xf32>
        %gt3A_154 = arith.constant 0.699999988 : f32
        %gt3A_155 = vector.broadcast %gt3A_154 : f32 to vector<512x512xf32>
        %gt3A_156 = arith.cmpf ogt, %div3A_153, %gt3A_155 : vector<512x512xf32>
        %convert_element_type3A_157 = arith.extui %gt3A_156 : vector<512x512xi1> to vector<512x512xi32>
        %convert_element_type3A_158 = arith.sitofp %convert_element_type3A_157 : vector<512x512xi32> to vector<512x512xf32>
        %mul3A_159 = arith.constant 512 : i32
        %mul3A_160 = arith.muli %while3A_89, %mul3A_159 : i32
        %get3A_161 = arith.constant 0 : index
        %get3A_162 = arith.index_cast %mul3A_160 : i32 to index
        %get3A_163 = vector.load %arg10[%get3A_161, %get3A_162] : memref<1x5120xf32, #tpu.memory_space<vmem>>, vector<1x512xf32>
        %dot_general3A = arith.constant dense<0.000000e+00> : vector<1x512xf32>
        %dot_general3A_164 = tpu.matmul %get3A_163, %convert_element_type3A_158, %dot_general3A {dimension_numbers = #tpu.dot_dimension_numbers<[1], [0], [0], [1], [0, 0, 1, 1], [], []>, transpose_lhs_hint = false} : vector<1x512xf32>, vector<512x512xf32>, vector<1x512xf32> -> vector<1x512xf32>
        %add3A_165 = arith.addf %while3A_90, %dot_general3A_164 : vector<1x512xf32>
        scf.yield %add3A_165 : vector<1x512xf32>
      }
      %mul3A = arith.constant 512 : i32
      %mul3A_18 = arith.muli %scan3A_6, %mul3A : i32
      %mul3A_19 = arith.constant 512 : i32
      %mul3A_20 = arith.muli %scan3A_6, %mul3A_19 : i32
      %get3A = arith.index_cast %mul3A_18 : i32 to index
      %get3A_21 = arith.constant 0 : index
      %get3A_22 = vector.load %arg0[%get3A, %get3A_21] : memref<5120x1xf32, #tpu.memory_space<vmem>>, vector<512x1xf32>
      %get3A_23 = arith.index_cast %mul3A_18 : i32 to index
      %get3A_24 = arith.constant 0 : index
      %get3A_25 = vector.load %arg1[%get3A_23, %get3A_24] : memref<5120x1xf32, #tpu.memory_space<vmem>>, vector<512x1xf32>
      %get3A_26 = arith.index_cast %mul3A_18 : i32 to index
      %get3A_27 = arith.constant 0 : index
      %get3A_28 = vector.load %arg2[%get3A_26, %get3A_27] : memref<5120x1xf32, #tpu.memory_space<vmem>>, vector<512x1xf32>
      %get3A_29 = arith.index_cast %mul3A_18 : i32 to index
      %get3A_30 = arith.constant 0 : index
      %get3A_31 = vector.load %arg3[%get3A_29, %get3A_30] : memref<5120x1xf32, #tpu.memory_space<vmem>>, vector<512x1xf32>
      %get3A_32 = arith.index_cast %mul3A_18 : i32 to index
      %get3A_33 = arith.constant 0 : index
      %get3A_34 = vector.load %arg4[%get3A_32, %get3A_33] : memref<5120x1xf32, #tpu.memory_space<vmem>>, vector<512x1xf32>
      %get3A_35 = arith.constant 0 : index
      %get3A_36 = arith.index_cast %mul3A_20 : i32 to index
      %get3A_37 = vector.load %arg5[%get3A_35, %get3A_36] : memref<1x5120xf32, #tpu.memory_space<vmem>>, vector<1x512xf32>
      %get3A_38 = arith.constant 0 : index
      %get3A_39 = arith.index_cast %mul3A_20 : i32 to index
      %get3A_40 = vector.load %arg6[%get3A_38, %get3A_39] : memref<1x5120xf32, #tpu.memory_space<vmem>>, vector<1x512xf32>
      %get3A_41 = arith.constant 0 : index
      %get3A_42 = arith.index_cast %mul3A_20 : i32 to index
      %get3A_43 = vector.load %arg7[%get3A_41, %get3A_42] : memref<1x5120xf32, #tpu.memory_space<vmem>>, vector<1x512xf32>
      %get3A_44 = arith.constant 0 : index
      %get3A_45 = arith.index_cast %mul3A_20 : i32 to index
      %get3A_46 = vector.load %arg8[%get3A_44, %get3A_45] : memref<1x5120xf32, #tpu.memory_space<vmem>>, vector<1x512xf32>
      %get3A_47 = arith.constant 0 : index
      %get3A_48 = arith.index_cast %mul3A_20 : i32 to index
      %get3A_49 = vector.load %arg9[%get3A_47, %get3A_48] : memref<1x5120xf32, #tpu.memory_space<vmem>>, vector<1x512xf32>
      %min3A = vector.broadcast %get3A_28 : vector<512x1xf32> to vector<512x512xf32>
      %min3A_50 = vector.broadcast %get3A_43 : vector<1x512xf32> to vector<512x512xf32>
      %min3A_51 = arith.minimumf %min3A, %min3A_50 : vector<512x512xf32>
      %max3A = vector.broadcast %get3A_22 : vector<512x1xf32> to vector<512x512xf32>
      %max3A_52 = vector.broadcast %get3A_37 : vector<1x512xf32> to vector<512x512xf32>
      %max3A_53 = arith.maximumf %max3A, %max3A_52 : vector<512x512xf32>
      %sub3A = arith.subf %min3A_51, %max3A_53 : vector<512x512xf32>
      %max3A_54 = arith.constant 0.000000e+00 : f32
      %max3A_55 = vector.broadcast %max3A_54 : f32 to vector<512x512xf32>
      %max3A_56 = arith.maximumf %sub3A, %max3A_55 : vector<512x512xf32>
      %min3A_57 = vector.broadcast %get3A_31 : vector<512x1xf32> to vector<512x512xf32>
      %min3A_58 = vector.broadcast %get3A_46 : vector<1x512xf32> to vector<512x512xf32>
      %min3A_59 = arith.minimumf %min3A_57, %min3A_58 : vector<512x512xf32>
      %max3A_60 = vector.broadcast %get3A_25 : vector<512x1xf32> to vector<512x512xf32>
      %max3A_61 = vector.broadcast %get3A_40 : vector<1x512xf32> to vector<512x512xf32>
      %max3A_62 = arith.maximumf %max3A_60, %max3A_61 : vector<512x512xf32>
      %sub3A_63 = arith.subf %min3A_59, %max3A_62 : vector<512x512xf32>
      %max3A_64 = arith.constant 0.000000e+00 : f32
      %max3A_65 = vector.broadcast %max3A_64 : f32 to vector<512x512xf32>
      %max3A_66 = arith.maximumf %sub3A_63, %max3A_65 : vector<512x512xf32>
      %mul3A_67 = arith.mulf %max3A_56, %max3A_66 : vector<512x512xf32>
      %add3A = vector.broadcast %get3A_34 : vector<512x1xf32> to vector<512x512xf32>
      %add3A_68 = vector.broadcast %get3A_49 : vector<1x512xf32> to vector<512x512xf32>
      %add3A_69 = arith.addf %add3A, %add3A_68 : vector<512x512xf32>
      %sub3A_70 = arith.subf %add3A_69, %mul3A_67 : vector<512x512xf32>
      %max3A_71 = arith.constant 9.99999971E-10 : f32
      %max3A_72 = vector.broadcast %max3A_71 : f32 to vector<512x512xf32>
      %max3A_73 = arith.maximumf %sub3A_70, %max3A_72 : vector<512x512xf32>
      %div3A = arith.divf %mul3A_67, %max3A_73 : vector<512x512xf32>
      %gt3A = arith.constant 0.699999988 : f32
      %gt3A_74 = vector.broadcast %gt3A : f32 to vector<512x512xf32>
      %gt3A_75 = arith.cmpf ogt, %div3A, %gt3A_74 : vector<512x512xf32>
      %convert_element_type3A_76 = arith.extui %gt3A_75 : vector<512x512xi1> to vector<512x512xi32>
      %convert_element_type3A_77 = arith.sitofp %convert_element_type3A_76 : vector<512x512xi32> to vector<512x512xf32>
      %mul3A_78 = arith.mulf %convert_element_type3A_77, %convert_element_type3A_1 : vector<512x512xf32>
      %eq3A = arith.constant 0.000000e+00 : f32
      %eq3A_79 = vector.broadcast %eq3A : f32 to vector<1x512xf32>
      %eq3A_80 = arith.cmpf oeq, %while3A_17, %eq3A_79 : vector<1x512xf32>
      %convert_element_type3A_81 = arith.extui %eq3A_80 : vector<1x512xi1> to vector<1x512xi32>
      %convert_element_type3A_82 = arith.sitofp %convert_element_type3A_81 : vector<1x512xi32> to vector<1x512xf32>
      %while3A_83 = arith.constant true
      %while3A_84:2 = scf.while (%while3A_89 = %convert_element_type3A_82, %while3A_90 = %while3A_83) : (vector<1x512xf32>, i1) -> (vector<1x512xf32>, i1) {
        scf.condition(%while3A_90) %while3A_89, %while3A_90 : vector<1x512xf32>, i1
      } do {
      ^bb0(%while3A_89: vector<1x512xf32>, %while3A_90: i1):
        %dot_general3A = arith.constant dense<0.000000e+00> : vector<1x512xf32>
        %dot_general3A_91 = tpu.matmul %while3A_89, %mul3A_78, %dot_general3A {dimension_numbers = #tpu.dot_dimension_numbers<[1], [0], [0], [1], [0, 0, 1, 1], [], []>, transpose_lhs_hint = false} : vector<1x512xf32>, vector<512x512xf32>, vector<1x512xf32> -> vector<1x512xf32>
        %eq3A_92 = arith.constant 0.000000e+00 : f32
        %eq3A_93 = vector.broadcast %eq3A_92 : f32 to vector<1x512xf32>
        %eq3A_94 = arith.cmpf oeq, %dot_general3A_91, %eq3A_93 : vector<1x512xf32>
        %convert_element_type3A_95 = arith.extui %eq3A_94 : vector<1x512xi1> to vector<1x512xi32>
        %convert_element_type3A_96 = arith.sitofp %convert_element_type3A_95 : vector<1x512xi32> to vector<1x512xf32>
        %mul3A_97 = arith.mulf %convert_element_type3A_82, %convert_element_type3A_96 : vector<1x512xf32>
        %sub3A_98 = arith.subf %mul3A_97, %while3A_89 : vector<1x512xf32>
        %abs3A = math.absf %sub3A_98 : vector<1x512xf32>
        %reduce_sum3A = vector.shape_cast %abs3A : vector<1x512xf32> to vector<1x1x512xf32>
        %reduce_sum3A_99 = arith.constant dense<0.000000e+00> : vector<1xf32>
        %reduce_sum3A_100 = vector.multi_reduction <add>, %reduce_sum3A, %reduce_sum3A_99 [1, 2] : vector<1x1x512xf32> to vector<1xf32>
        %reduce_sum3A_101 = vector.shape_cast %reduce_sum3A_100 : vector<1xf32> to vector<1x1x1xf32>
        %reduce_sum3A_102 = vector.extract %reduce_sum3A_101[0, 0, 0] : f32 from vector<1x1x1xf32>
        %gt3A_103 = arith.constant 0.000000e+00 : f32
        %gt3A_104 = arith.cmpf ogt, %reduce_sum3A_102, %gt3A_103 : f32
        scf.yield %mul3A_97, %gt3A_104 : vector<1x512xf32>, i1
      }
      %mul3A_85 = arith.constant 512 : i32
      %mul3A_86 = arith.muli %scan3A_6, %mul3A_85 : i32
      %swap3A = arith.constant 0 : index
      %swap3A_87 = arith.index_cast %mul3A_86 : i32 to index
      %swap3A_88 = vector.load %arg10[%swap3A, %swap3A_87] : memref<1x5120xf32, #tpu.memory_space<vmem>>, vector<1x512xf32>
      tpu.vector_store %arg10[%swap3A, %swap3A_87], %while3A_84#0 {strides = array<i32>} : memref<1x5120xf32, #tpu.memory_space<vmem>>, vector<1x512xf32>,
    }
    %scan3A_5 = arith.constant 10 : i32
    return
  }
}

</mosaic_0001>

<sc_bundles>
// kernel: gather_offload_async_start
scs
__scs_entry_jumppad:
0x0: {  	(pc) =	sbr.rel $0x88, $3  }
0x1: {  	(tag) =	ssettag $0x0;
	lr =	simm.s32 $0x1  }
0x2: {  	[smem:$0x3F9F] =	sst lr;
	_ =	strace $0xD0000000  }
0x3: {  	_ = 	snop  }
0x4: {  	_ = 	snop  }
0x5: {  	_ = 	snop  }
0x6: {  	_ = 	snop  }
0x7: {  	_ = 	snop  }
__scs_overlays_trampoline_lowered:
0x8: {  	[smem:$0x3FAE] =	sst s0  }
0x9: {  	[smem:$0x3FAF] =	sst s1  }
0xa: {  	[smem:$0x3FB0] =	sst s2  }
0xb: {  	[smem:$0x3FB1] =	sst s3  }
0xc: {  	[smem:$0x3FB2] =	sst s4  }
0xd: {  	[smem:$0x3FB3] =	sst s5  }
0xe: {  	[smem:$0x3FB4] =	sst s6  }
0xf: {  	[smem:$0x3FB5] =	sst s7  }
0x10: {  	[smem:$0x3FB6] =	sst s8  }
0x11: {  	[smem:$0x3FB7] =	sst s9;
	s0 =	simm.s32 @!p0 $0x0  }
0x12: {  	s1 =	sld [smem:$0x3F9D];
	s0 =	simm.s32 @p0 $0x1  }
0x13: {  	[smem:$0x3FB8] =	sst s0;
	s0 =	simm.s32 @!p1 $0x0  }
0x14: {  	s2 =	sld [smem:$0x3F9C];
	s0 =	simm.s32 @p1 $0x1  }
0x15: {  	[smem:$0x3FB9] =	sst s0;
	s0 =	simm.s32 @!p2 $0x0  }
0x16: {  	s3 =	sld [smem:$0x3FDB];
	s0 =	simm.s32 @p2 $0x1  }
0x17: {  	s4 =	simm.s32 $0x1BF5;
	[smem:$0x3FBB] =	sst s0  }
0x18: {  	s0 =	sld [smem:$0x3F9E];
	_ =	swait.ge [sflag:s4], $0x0  }
0x19: {  	s7 =	sld [smem:$0x3F9F]  }
0x1a: {  	s8 =	sadd.s32 $0xFFFFE003, lr  }
0x1b: {  	s9 =	sadd.s32 $0xFFFFFEF7, lr;
	s5 =	simm.s32 $0xFFFFFFFF;
	p2 =	slt.u32 s8, $0xFFFFF086  }
0x1c: {  	p1 =	slt.u32 s9, $0xF7A;
	s5 =	simm.s32 @!p2 $0x0  }
0x1d: {  	s5 =	simm.s32 @p1 $0x1;
	p0 =	seq.s32 s7, s2  }
0x1e: {  	s7 =	smul.u32 @!p0 $0xF7A, s2;
	p2 =	seq.s32 @!p0 s5, $0x0  }
0x1f: {  	s9 =	smul.u32 $0xF7A, s1;
	s8 =	simm.s32 @!p0 $0x1BF5;
	p2 =	por !p2, p0  }
0x20: {  	[sflag:s8] =	ssyncset.s32 @!p0 $0xFFFFF086;
	s6 =	sadd.s32 @!p0 s3, s7;
	s7 =	simm.s32 @!p0 $0x108  }
0x21: {  	s3 =	sadd.s32 s3, s9;
	s6 =	sadd.s32 @!p0 $0x88, s6;
	s7 =	simm.s32 @p2 $0x1082  }
0x22: {  	[simem:s7], [sflag:s8] =	dma.local @!p0 [hbm:s6], $0xF7A  }
0x23: {  	s9 =	sor.u32 $0xD0000000, s2;
	s6 =	simm.s32 $0x108;
	_ =	swait.ge @!p0 [sflag:s8], $0x0  }
0x24: {  	s3 =	sadd.s32 $0x88, s3;
	s6 =	simm.s32 @!p1 $0x1082;
	[sflag:s4] =	ssyncset.s32 $0xFFFFF086  }
0x25: {  	[simem:s6], [sflag:s4] =	dma.local [hbm:s3], $0xF7A  }
0x26: {  	[smem:$0x3F9F] =	sst s1;
	(tag) =	ssettag s2;
	_ =	strace s9  }
0x27: {  	s1 =	sld [smem:$0x3FAF]  }
0x28: {  	s2 =	sld [smem:$0x3FB0]  }
0x29: {  	s4 =	sld [smem:$0x3FB2]  }
0x2a: {  	p0 =	seq.s32 s5, $0x0;
	s5 =	sld [smem:$0x3FB3]  }
0x2b: {  	s6 =	sld [smem:$0x3FB4]  }
0x2c: {  	s7 =	sld [smem:$0x3FB5]  }
0x2d: {  	s3 =	simm.s32 $0x108;
	s8 =	sld [smem:$0x3FB6]  }
0x2e: {  	s3 =	simm.s32 @!p0 $0x1082;
	s9 =	sld [smem:$0x3FB7]  }
0x2f: {  	lr =	sadd.s32 s0, s3;
	s0 =	sld [smem:$0x3FAE]  }
0x30: {  	s3 =	sld [smem:$0x3FB1]  }
0x31: {  	[smem:$0x3FBA] =	sst s10  }
0x32: {  	s10 =	sld [smem:$0x3FB8];
	_ =	sdelay $0x3  }
0x33: {  	p0 =	seq.s32 s10, $0x1;
	s10 =	sld [smem:$0x3FBA];
	_ =	sdelay $0x3  }
0x34: {  	[smem:$0x3FBA] =	sst s10  }
0x35: {  	s10 =	sld [smem:$0x3FB9];
	_ =	sdelay $0x3  }
0x36: {  	p1 =	seq.s32 s10, $0x1;
	s10 =	sld [smem:$0x3FBA];
	_ =	sdelay $0x3  }
0x37: {  	[smem:$0x3FBA] =	sst s10  }
0x38: {  	s10 =	sld [smem:$0x3FBB]  }
0x39: {  	_ = 	snop;
	(pc) =	sbr.ind lr, $3  }
0x3a: {  	_ = 	snop  }
0x3b: {  	_ = 	snop  }
0x3c: {  	p2 =	seq.s32 s10, $0x1;
	s10 =	sld [smem:$0x3FBA]  }
0x3d: {  	_ =	shalt  }
0x3e: {  	_ =	shalt  }
0x3f: {  	_ =	shalt  }
0x40: {  	_ =	shalt  }
0x41: {  	_ =	shalt  }
0x42: {  	_ =	shalt  }
0x43: {  	_ =	shalt  }
0x44: {  	_ =	shalt  }
0x45: {  	_ =	shalt  }
0x46: {  	_ =	shalt  }
0x47: {  	_ =	shalt  }
0x48: {  	_ =	shalt  }
0x49: {  	_ =	shalt  }
0x4a: {  	_ =	shalt  }
0x4b: {  	_ =	shalt  }
0x4c: {  	_ =	shalt  }
0x4d: {  	_ =	shalt  }
0x4e: {  	_ =	shalt  }
0x4f: {  	_ =	shalt  }
0x50: {  	_ =	shalt  }
0x51: {  	_ =	shalt  }
0x52: {  	_ =	shalt  }
0x53: {  	_ =	shalt  }
0x54: {  	_ =	shalt  }
0x55: {  	_ =	shalt  }
0x56: {  	_ =	shalt  }
0x57: {  	_ =	shalt  }
0x58: {  	_ =	shalt  }
0x59: {  	_ =	shalt  }
0x5a: {  	_ =	shalt  }
0x5b: {  	_ =	shalt  }
0x5c: {  	_ =	shalt  }
0x5d: {  	_ =	shalt  }
0x5e: {  	_ =	shalt  }
0x5f: {  	_ =	shalt  }
0x60: {  	_ =	shalt  }
0x61: {  	_ =	shalt  }
0x62: {  	_ =	shalt  }
0x63: {  	_ =	shalt  }
0x64: {  	_ =	shalt  }
0x65: {  	_ =	shalt  }
0x66: {  	_ =	shalt  }
0x67: {  	_ =	shalt  }
0x68: {  	_ =	shalt  }
0x69: {  	_ =	shalt  }
0x6a: {  	_ =	shalt  }
0x6b: {  	_ =	shalt  }
0x6c: {  	_ =	shalt  }
0x6d: {  	_ =	shalt  }
0x6e: {  	_ =	shalt  }
0x6f: {  	_ =	shalt  }
0x70: {  	_ =	shalt  }
0x71: {  	_ =	shalt  }
0x72: {  	_ =	shalt  }
0x73: {  	_ =	shalt  }
0x74: {  	_ =	shalt  }
0x75: {  	_ =	shalt  }
0x76: {  	_ =	shalt  }
0x77: {  	_ =	shalt  }
0x78: {  	_ =	shalt  }
0x79: {  	_ =	shalt  }
0x7a: {  	_ =	shalt  }
0x7b: {  	_ =	shalt  }
0x7c: {  	_ =	shalt  }
0x7d: {  	_ =	shalt  }
0x7e: {  	_ =	shalt  }
0x7f: {  	_ =	shalt  }
0x80: {  	_ =	shalt  }
0x81: {  	_ =	shalt  }
0x82: {  	_ =	shalt  }
0x83: {  	_ =	shalt  }
0x84: {  	_ =	shalt  }
0x85: {  	_ =	shalt  }
0x86: {  	_ =	shalt  }
0x87: {  	_ =	shalt  }
.Lfunc_end0:
.L_simem_size_0:
called_computation_lowered:
.L_overlay_start_0:
0x88: {  	s0 =	sld [smem:$0x3FD9]  }
0x89: {  	s1 =	sld [smem:$0x3FFE];
	_ =	sdelay $0x3  }
0x8a: {  	s0 =	sadd.s32 s1, s0  }
0x8b: {  	[smem:$0x3FC6] =	sst s0  }
0x8c: {  	_ = 	snop  }
0x8d: {  	(tm) =	ssettm $0x1  }
0x8e: {  	s15 =	sld [smem:$0x3FFB];
	_ =	sdelay $0x3  }
0x8f: {  	_ =	strace s15  }
0x90: {  	s0 =	sld [smem:$0x3FFC];
	_ =	sdelay $0x3  }
0x91: {  	_ =	strace s0  }
0x92: {  	s0 =	sld [smem:$0x3FFD];
	_ =	sdelay $0x3  }
0x93: {  	_ =	strace s0  }
0x94: {  	_ =	strace $0x8FFFFFFF  }
0x95: {  	s16 =	sld [smem:$0x3FDB];
	_ =	sdelay $0x1  }
0x96: {  	s17 =	simm.s32 $_scs_section_size  }
0x97: {  	s2 =	simm.s32 $_size__tile_overlayer_lowered;
	s3 =	simm.s32 $_tile_overlayer_lowered  }
0x98: {  	s20 =	simm.s32 $0x1BFF;
	s19 =	sshll.u32 s3, $0x1;
	s0 =	sadd.s32 s17, s16  }
0x99: {  	s4 =	simm.s32 $0x0;
	s18 =	sshll.u32 s2, $0x1;
	s2 =	sadd.s32 s19, s0  }
0x9a: {  	[timem:s4], [sflag:s20] =	dma.local [hbm:s2], s18  }
0x9b: {  	_ =	swait.ge [sflag:s20], s18  }
0x9c: {  	s1 =	ssub.s32 $0x0, s18;
	[sflag:s20] =	ssyncset.done $0x0  }
0x9d: {  	[sflag:s20] =	ssyncadd.s32 s1;
	_ =	sdelay $0x1  }
0x9e: {  	s21 =	simm.s32 $0x1B8B  }
0x9f: {  	_ =	swait.ge [sflag:s21], $0x1  }
0xa0: {  	[sflag:s21] =	ssyncset.done $0x0  }
0xa1: {  	s23 =	simm.s32 $0x1B8E;
	s22 =	sld [smem:$0x3FFE];
	[sflag:s21] =	ssyncadd.s32 $0xFFFFFFFF  }
0xa2: {  	s24 =	simm.s32 $execute0_lowered;
	[smem:$0x3FD2] =	sst s23  }
0xa3: {  	s2 =	sshll.u32 s24, $0x1;
	_ =	strace $0x80000046;
	[dreg:$0x1] =	wrdreg $0xFFFFFFFF  }
0xa4: {  	s25 =	simm.s32 $_size_execute0_lowered;
	s0 =	sadd.s32 s0, s2;
	[dreg:$0x0] =	wrdreg $0x0  }
0xa5: {  	s2 =	sshll.u32 s25, $0x1;
	[dreg:$0x2] =	wrdreg s0  }
0xa6: {  	[dreg:$0x3] =	wrdreg s2  }
0xa7: {  	[dreg:$0x4] =	wrdreg $0xC0  }
0xa8: {  	_ =	task [dreg:s4], $0x5FFFF  }
0xa9: {  	[dreg:$0x1] =	wrdreg $0xFFFFFFFF  }
0xaa: {  	[dreg:$0x0] =	wrdreg $0x60  }
0xab: {  	[dreg:$0x2] =	wrdreg s22  }
0xac: {  	[dreg:$0x3] =	wrdreg $0x9  }
0xad: {  	_ =	task.clear_ibuf [dreg:s4], $0x4FFFF;
	_ =	strace $0x90000046  }
0xae: {  	s26 =	simm.s32 $0x9;
	_ =	strace $0x80000048  }
0xaf: {  	_ =	swait.ge [sflag:s26], $0x1  }
0xb0: {  	[sflag:s26] =	ssyncadd.s32 $0xFFFFFFFF  }
0xb1: {  	_ =	strace $0x90000048  }
0xb2: {  	_ =	sfence  }
0xb3: {  	s28 =	sld [smem:$0x0];
	_ =	sdelay $0x1  }
0xb4: {  	s29 =	srdreg.scid  }
0xb5: {  	s30 =	sshll.u32 s29, $0xD;
	s31 =	sshrl.u32 s29, $0x2  }
0xb6: {  	s1 =	sand.u32 $0x1, s29;
	s2 =	sand.u32 $0x4000, s30;
	s0 =	sadd.s32 s31, s28  }
0xb7: {  	s1 =	sor.u32 s2, s1;
	s0 =	sshll.u32 s0, $0x11  }
0xb8: {  	s0 =	sor.u32 s0, s1  }
0xb9: {  	s0 =	sadd.s32 $0x8F2B, s0  }
0xba: {  	[sflag:s0] =	ssyncadd.remote.s32 $0x1  }
0xbb: {  	_ =	sfence.sel $0xFFFF  }
0xbc: {  	[dreg:$0x0] =	wrdreg $0xFFFFFFFF;
	(pc) =	sbr.abs _section_cstart, $3  }
0xbd: {  	[dreg:$0x1] =	wrdreg $0xFFFFFFFF  }
0xbe: {  	_ =	task.clear_ibuf [dreg:s4], $0x2FFFF;
	_ =	strace $0x9FFFFFFF  }
0xbf: {  	(tm) =	ssettm $0x7FFFFFFF  }
tec
execute0_lowered:
.L_overlay_start_1:
0x0: {  	(tag) =	ssettag $0x1  }
0x1: {  	s0 =	stileid.u32  }
0x2: {  	s1 =	smin.u32 s0, $0x9  }
0x3: {  	s1 =	sadd.s32 s0, s1  }
0x4: {  	s2 =	simm.s32 $0x190;
	p0 =	slt.u32 s0, $0x9;
	s1 =	smul.u32 $0xC8, s1  }
0x5: {  	s2 =	simm.s32 @!p0 $0xC8  }
0x6: {  	s2 =	sadd.s32 s2, s1  }
0x7: {  	s3 =	smin.u32 s2, $0x1388  }
0x8: {  	s7 =	ssub.s32 s3, s1  }
0x9: {  	p0 =	sgt.s32 s7, $0x0  }
0xa: {  	s7 =	simm.s32 @!p0 $0x0  }
0xb: {  	s31 =	sand.u32 $0xFFF8, s7  }
0xc: {  	s2 =	sshrl.u32 s31, $0x3  }
0xd: {  	s2 =	smul.u32 $0x147B, s2  }
0xe: {  	s4 =	rddreg [dreg:$0x0];
	s6 =	simm.s32 $0x1  }
0xf: {  	s10 =	simm.s32 $0x3;
	s13 =	simm.s32 $0x0;
	s8 =	sshrl.u32 s2, $0x11  }
0x10: {  	s12 =	simm.s32 $0x0;
	s5 =	sadd.s32 $0x400, s4;
	s9 =	smul.u32 $0xC8, s8  }
.Ltmp0:
0x11: {  	s11 =	smov.u32 s1;
	s2 =	rddreg [dreg:$0x1];
	(pc) =	sbr.rel .LBB2_1-.Ltmp0, $4  }
0x12: {  	_ =	strace $0x80000047;
	p0 =	sne.s32 s7, s9;
	s9 =	simm.s32 $0x1  }
0x13: {  	[sflag:s6] =	ssyncpa.u1 $0x0;
	s7 =	simm.s32 $0x2;
	s9 =	simm.s32 @!p0 $0x0  }
0x14: {  	[sflag:s7] =	ssyncpa.u1 $0x0;
	p0 =	por $0x0, $0x0;
	s8 =	sadd.s32 s8, s9  }
0x15: {  	vm0 =	vmmov $0xff;
	vm1 =	vcmask $0x3F20;
	s9 =	sadd.s32 $0x13E00, s4;
	[sflag:s10] =	ssyncpa.u1 $0x0;
	s10 =	sadd.s32 $0x1, s8  }
.LBB2_6:
0x16: {  	[hbm:s17] =	stream.linear.scatter [tilespmem:s14], [sflag:$0x3], $0x400, $0x38;
	[tilespmem:$0xC990] =	vst v63  }
.LBB2_7:
0x17: {  	s13 =	sadd.s32 $0xC8, s11  }
0x18: {  	s15 =	smov.u32 s1;
	p2 =	slt.s32 s13, s3  }
0x19: {  	s15 =	smov.u32 @p2 s13;
	p2 =	sne.s32 s12, s10  }
.Ltmp1:
0x1a: {  	p1 =	slt.u32 s12, $0x2;
	(pc) =	sbr.rel @!p2 .LBB2_8-.Ltmp1, $4  }
0x1b: {  	s14 =	simm.s32 @!p1 $0x3  }
0x1c: {  	s16 =	sadd.s32 $0x1, s12;
	_ =	swait.ge @!p1 [sflag:s14], $0x6400  }
0x1d: {  	p0 =	por !p0, !p0;
	s13 =	smov.u32 s11;
	[sflag:s14] =	ssyncset.done @!p1 $0x0  }
0x1e: {  	s12 =	smov.u32 s16;
	s11 =	smov.u32 s15;
	[sflag:s14] =	ssyncadd.s32 @!p1 $0xFFFF9C00  }
.LBB2_1:
0x1f: {  	p1 =	sge.u32 s12, s8  }
0x20: {  	s14 =	sxor.u32 @!p1 $0xFFFFFFFF, s12  }
0x21: {  	s14 =	sand.u32 @!p1 $0x1, s14  }
0x22: {  	s14 =	smul.u32 @!p1 $0x320, s14  }
0x23: {  	s31 =	sadd.s32 $0xFFFFFFFF, s12;
	s15 =	sshrl.u32 @!p1 s11, $0x3  }
0x24: {  	s16 =	sand.u32 @!p1 $0x7, s11;
	s15 =	sadd.s32 @!p1 s4, s15;
	s14 =	sshrl.u32 @!p1 s14, $0x2  }
0x25: {  	[tilespmem:s14], [sflag:$0x2] =	stream.linear.gather @!p1 [hbm4b:s15+s16], $0xC8, $0x38;
	[tilespmem:$0xC990] =	vst v63  }
0x26: {  	p1 =	sge.u32 s31, s8  }
.Ltmp2:
0x27: {  	_ = 	snop;
	(pc) =	sbr.rel @p1 .LBB2_7-.Ltmp2, $1  }
0x28: {  	_ =	sdelay $0x3  }
0x29: {  	s14 =	simm.s32 $0x1  }
0x2a: {  	s14 =	simm.s32 @!p0 $0x0  }
0x2b: {  	s15 =	smul.u32 $0x320, s14  }
0x2c: {  	_ =	swait.ge [sflag:s7], $0xC8  }
0x2d: {  	[sflag:s7] =	ssyncset.done $0x0;
	s16 =	sshrl.u32 s15, $0x2  }
0x2e: {  	[sflag:s7] =	ssyncadd.s32 $0xFFFFFF38;
	s15 =	sadd.s32 $0x0, s16  }
0x2f: {  	v0 =	vld.msk [tilespmem:s15+$0x0 ss:$0x1], $0xffff;
	_ =	sdelay $0x4  }
0x30: {  	vm2 =	vgt.s32 v0, $0x0  }
0x31: {  	v0 =	vnsel vm2, $0x0, v0  }
0x32: {  	v0 =	vmin.u32 v0, $0x1387  }
0x33: {  	v0 =	vshll.u32 v0, $0x4  }
0x34: {  	s14 =	smul.u32 $0x19000, s14  }
0x35: {  	s31 =	sand.u32 $0x1, s12  }
0x36: {  	s17 =	smul.u32 $0x320, s31;
	s14 =	sshrl.u32 s14, $0x2  }
0x37: {  	s19 =	smul.u32 $0x19000, s31;
	s14 =	sor.u32 $0x190, s14  }
0x38: {  	[tilespmem:s14], [sflag:$0x1] =	stream.indirect_vreg.gather [hbm:s5], $0x80, v0, vm0, $0x38;
	[tilespmem:$0xC990] =	vst v63  }
0x39: {  	s18 =	sshrl.u32 s17, $0x2;
	s20 =	sadd.s32 $0x10, s16;
	s15 =	sadd.s32 $0x400, s14  }
0x3a: {  	[tilespmem:s15], [sflag:$0x1] =	stream.indirect_vreg.gather [hbm:s5], $0x80, v0, vm1, $0x38;
	[tilespmem:$0xC990] =	vst v63  }
0x3b: {  	s17 =	sshrl.u32 s19, $0x2;
	s19 =	smov.u32 s14;
	v0 =	vld.msk [tilespmem:s20+$0x0 ss:$0x1], $0xffff;
	s20 =	simm.s32 $0x80  }
.LBB2_3:
0x3c: {  	p1 =	sne.s32 s20, $0x2C0;
	_ =	sdelay $0x4  }
0x3d: {  	vm2 =	vgt.s32 v0, $0x0  }
0x3e: {  	v0 =	vnsel vm2, $0x0, v0  }
0x3f: {  	v0 =	vmin.u32 v0, $0x1387  }
0x40: {  	v0 =	vshll.u32 v0, $0x4;
	_ =	sdelay $0x3  }
.Ltmp3:
0x41: {  	s21 =	sshra.s32 s20, $0x2;
	s19 =	sadd.s32 $0x800, s19;
	(pc) =	sbr.rel @p1 .LBB2_3-.Ltmp3, $4  }
0x42: {  	[tilespmem:s19], [sflag:$0x1] =	stream.indirect_vreg.gather [hbm:s5], $0x80, v0, vm0, $0x38;
	[tilespmem:$0xC990] =	vst v63  }
0x43: {  	s21 =	sadd.s32 s21, s16;
	s22 =	sadd.s32 $0x400, s19  }
0x44: {  	[tilespmem:s22], [sflag:$0x1] =	stream.indirect_vreg.gather [hbm:s5], $0x80, v0, vm1, $0x38;
	[tilespmem:$0xC990] =	vst v63  }
0x45: {  	s20 =	sadd.s32 $0x40, s20;
	v0 =	vld.msk [tilespmem:s21+$0x0 ss:$0x1], $0xffff  }
0x46: {  	_ =	sdelay $0x3  }
0x47: {  	vm2 =	vgt.s32 v0, $0x0  }
0x48: {  	v0 =	vnsel vm2, $0x0, v0  }
0x49: {  	v0 =	vmin.u32 v0, $0x1387  }
0x4a: {  	v0 =	vshll.u32 v0, $0x4;
	_ =	sdelay $0x3  }
0x4b: {  	s16 =	sadd.s32 $0x800, s19  }
0x4c: {  	[tilespmem:s16], [sflag:$0x1] =	stream.indirect_vreg.gather [hbm:s5], $0x80, v0, vm0, $0x38;
	[tilespmem:$0xC990] =	vst v63  }
0x4d: {  	s16 =	sadd.s32 $0x400, s16  }
0x4e: {  	[tilespmem:s16], [sflag:$0x1] =	stream.indirect_vreg.gather [hbm:s5], $0x80, v0, vm1, $0x38;
	[tilespmem:$0xC990] =	vst v63  }
0x4f: {  	v0 =	vld.msk [tilespmem:s18+$0xC0 ss:$0x1], $0xff;
	_ =	sdelay $0x4  }
0x50: {  	vm2 =	vgt.s32 v0, $0x0  }
0x51: {  	v0 =	vnsel vm2, $0x0, v0  }
0x52: {  	v0 =	vmin.u32 v0, $0x1387  }
0x53: {  	v0 =	vshll.u32 v0, $0x4;
	_ =	sdelay $0x3  }
0x54: {  	s31 =	sadd.s32 $0x6190, s17  }
0x55: {  	[tilespmem:s31], [sflag:$0x1] =	stream.indirect_vreg.gather [hbm:s5], $0x80, v0, vm0, $0x38;
	[tilespmem:$0xC990] =	vst v63  }
0x56: {  	s13 =	sshll.u32 s13, $0x4;
	_ =	swait.ge [sflag:s6], $0x6400  }
0x57: {  	s13 =	sadd.s32 s13, s9;
	[sflag:s6] =	ssyncset.done $0x0  }
0x58: {  	s17 =	sadd.s32 $0x0, s13;
	s16 =	simm.s32 $0x80;
	[sflag:s6] =	ssyncadd.s32 $0xFFFF9C00  }
.LBB2_5:
0x59: {  	[hbm:s17] =	stream.linear.scatter [tilespmem:s14], [sflag:$0x3], $0x400, $0x38;
	[tilespmem:$0xC990] =	vst v63  }
0x5a: {  	s17 =	smov.u32 s16;
	s14 =	smov.u32 s15;
	p1 =	sne.s32 s16, $0xC00  }
.Ltmp4:
0x5b: {  	s16 =	sadd.s32 $0x80, s16;
	(pc) =	sbr.rel @p1 .LBB2_5-.Ltmp4, $2  }
0x5c: {  	_ =	sdelay $0x2  }
0x5d: {  	s15 =	sadd.s32 $0x400, s15;
	s17 =	sadd.s32 s17, s13  }
.Ltmp5:
0x5e: {  	_ = 	snop;
	(pc) =	sbr.rel .LBB2_6-.Ltmp5, $1  }
0x5f: {  	_ =	sdelay $0x3  }
.LBB2_8:
0x60: {  	_ =	sfence.sel $0x180000  }
0x61: {  	s1 =	simm.s32 $0x2;
	[bflag:$0x0] =	sbarrier.arrive $0xFFFF  }
0x62: {  	s30 =	simm.s32 $0x3;
	[sflag:s1] =	ssyncpa.u1 $0x1  }
0x63: {  	s31 =	simm.s32 $0x1;
	[sflag:s30] =	ssyncpa.u1 $0x1  }
0x64: {  	[sflag:s31] =	ssyncpa.u1 $0x1  }
0x65: {  	p0 =	sne.s32 s0, $0x0;
	_ =	strace $0x90000047  }
0x66: {  	s0 =	sadd.s32 @!p0 $0x100000, s2;
	[bflag:$0x2] =	sbarrier.arrive $0xFFFF  }
0x67: {  	[sflag:s0] =	ssyncadd.tile.s32 @!p0 $0x1;
	_ =	shalt  }
.Lfunc_end2:
_tile_overlayer_lowered:
.L_overlay_start_2:
0x68: {  	(tag) =	ssettag $0x2  }
0x69: {  	s0 =	rddreg [dreg:$0x0];
	s2 =	stileid.u32  }
0x6a: {  	s1 =	rddreg [dreg:$0x1];
	p0 =	sne.s32 s2, $0x0  }
0x6b: {  	s3 =	rddreg [dreg:$0x2];
	[bflag:$0x3] =	sbarrier.arrive $0xFFFF;
	s2 =	simm.s32 @!p0 $0x1C01  }
0x6c: {  	[timem:s3], [sflag:s2] =	dma.local @!p0 [hbm:s0], s1  }
0x6d: {  	s0 =	simm.s32 @!p0 $0x1  }
0x6e: {  	_ =	swait.ge @!p0 [sflag:s0], s1  }
0x6f: {  	s1 =	ssub.s32 @!p0 $0x0, s1;
	[sflag:s0] =	ssyncset.done @!p0 $0x0  }
0x70: {  	[sflag:s0] =	ssyncadd.s32 @!p0 s1  }
0x71: {  	[bflag:$0x3] =	sbarrier.arrive $0xFFFF  }
0x72: {  	_ =	shalt  }

// kernel: kernel.4.cloned.1.call-start
scs
__scs_entry_jumppad:
0x0: {  	(pc) =	sbr.rel $0x88, $3  }
0x1: {  	(tag) =	ssettag $0x0;
	lr =	simm.s32 $0x1  }
0x2: {  	[smem:$0x3F9F] =	sst lr;
	_ =	strace $0xD0000000  }
0x3: {  	_ = 	snop  }
0x4: {  	_ = 	snop  }
0x5: {  	_ = 	snop  }
0x6: {  	_ = 	snop  }
0x7: {  	_ = 	snop  }
__scs_overlays_trampoline_lowered:
0x8: {  	[smem:$0x3FAE] =	sst s0  }
0x9: {  	[smem:$0x3FAF] =	sst s1  }
0xa: {  	[smem:$0x3FB0] =	sst s2  }
0xb: {  	[smem:$0x3FB1] =	sst s3  }
0xc: {  	[smem:$0x3FB2] =	sst s4  }
0xd: {  	[smem:$0x3FB3] =	sst s5  }
0xe: {  	[smem:$0x3FB4] =	sst s6  }
0xf: {  	[smem:$0x3FB5] =	sst s7  }
0x10: {  	[smem:$0x3FB6] =	sst s8  }
0x11: {  	[smem:$0x3FB7] =	sst s9;
	s0 =	simm.s32 @!p0 $0x0  }
0x12: {  	s1 =	sld [smem:$0x3F9D];
	s0 =	simm.s32 @p0 $0x1  }
0x13: {  	[smem:$0x3FB8] =	sst s0;
	s0 =	simm.s32 @!p1 $0x0  }
0x14: {  	s2 =	sld [smem:$0x3F9C];
	s0 =	simm.s32 @p1 $0x1  }
0x15: {  	[smem:$0x3FB9] =	sst s0;
	s0 =	simm.s32 @!p2 $0x0  }
0x16: {  	s3 =	sld [smem:$0x3FDB];
	s0 =	simm.s32 @p2 $0x1  }
0x17: {  	s4 =	simm.s32 $0x1BF5;
	[smem:$0x3FBB] =	sst s0  }
0x18: {  	s0 =	sld [smem:$0x3F9E];
	_ =	swait.ge [sflag:s4], $0x0  }
0x19: {  	s7 =	sld [smem:$0x3F9F]  }
0x1a: {  	s8 =	sadd.s32 $0xFFFFE003, lr  }
0x1b: {  	s9 =	sadd.s32 $0xFFFFFEF7, lr;
	s5 =	simm.s32 $0xFFFFFFFF;
	p2 =	slt.u32 s8, $0xFFFFF086  }
0x1c: {  	p1 =	slt.u32 s9, $0xF7A;
	s5 =	simm.s32 @!p2 $0x0  }
0x1d: {  	s5 =	simm.s32 @p1 $0x1;
	p0 =	seq.s32 s7, s2  }
0x1e: {  	s7 =	smul.u32 @!p0 $0xF7A, s2;
	p2 =	seq.s32 @!p0 s5, $0x0  }
0x1f: {  	s9 =	smul.u32 $0xF7A, s1;
	s8 =	simm.s32 @!p0 $0x1BF5;
	p2 =	por !p2, p0  }
0x20: {  	[sflag:s8] =	ssyncset.s32 @!p0 $0xFFFFF086;
	s6 =	sadd.s32 @!p0 s3, s7;
	s7 =	simm.s32 @!p0 $0x108  }
0x21: {  	s3 =	sadd.s32 s3, s9;
	s6 =	sadd.s32 @!p0 $0x88, s6;
	s7 =	simm.s32 @p2 $0x1082  }
0x22: {  	[simem:s7], [sflag:s8] =	dma.local @!p0 [hbm:s6], $0xF7A  }
0x23: {  	s9 =	sor.u32 $0xD0000000, s2;
	s6 =	simm.s32 $0x108;
	_ =	swait.ge @!p0 [sflag:s8], $0x0  }
0x24: {  	s3 =	sadd.s32 $0x88, s3;
	s6 =	simm.s32 @!p1 $0x1082;
	[sflag:s4] =	ssyncset.s32 $0xFFFFF086  }
0x25: {  	[simem:s6], [sflag:s4] =	dma.local [hbm:s3], $0xF7A  }
0x26: {  	[smem:$0x3F9F] =	sst s1;
	(tag) =	ssettag s2;
	_ =	strace s9  }
0x27: {  	s1 =	sld [smem:$0x3FAF]  }
0x28: {  	s2 =	sld [smem:$0x3FB0]  }
0x29: {  	s4 =	sld [smem:$0x3FB2]  }
0x2a: {  	p0 =	seq.s32 s5, $0x0;
	s5 =	sld [smem:$0x3FB3]  }
0x2b: {  	s6 =	sld [smem:$0x3FB4]  }
0x2c: {  	s7 =	sld [smem:$0x3FB5]  }
0x2d: {  	s3 =	simm.s32 $0x108;
	s8 =	sld [smem:$0x3FB6]  }
0x2e: {  	s3 =	simm.s32 @!p0 $0x1082;
	s9 =	sld [smem:$0x3FB7]  }
0x2f: {  	lr =	sadd.s32 s0, s3;
	s0 =	sld [smem:$0x3FAE]  }
0x30: {  	s3 =	sld [smem:$0x3FB1]  }
0x31: {  	[smem:$0x3FBA] =	sst s10  }
0x32: {  	s10 =	sld [smem:$0x3FB8];
	_ =	sdelay $0x3  }
0x33: {  	p0 =	seq.s32 s10, $0x1;
	s10 =	sld [smem:$0x3FBA];
	_ =	sdelay $0x3  }
0x34: {  	[smem:$0x3FBA] =	sst s10  }
0x35: {  	s10 =	sld [smem:$0x3FB9];
	_ =	sdelay $0x3  }
0x36: {  	p1 =	seq.s32 s10, $0x1;
	s10 =	sld [smem:$0x3FBA];
	_ =	sdelay $0x3  }
0x37: {  	[smem:$0x3FBA] =	sst s10  }
0x38: {  	s10 =	sld [smem:$0x3FBB]  }
0x39: {  	_ = 	snop;
	(pc) =	sbr.ind lr, $3  }
0x3a: {  	_ = 	snop  }
0x3b: {  	_ = 	snop  }
0x3c: {  	p2 =	seq.s32 s10, $0x1;
	s10 =	sld [smem:$0x3FBA]  }
0x3d: {  	_ =	shalt  }
0x3e: {  	_ =	shalt  }
0x3f: {  	_ =	shalt  }
0x40: {  	_ =	shalt  }
0x41: {  	_ =	shalt  }
0x42: {  	_ =	shalt  }
0x43: {  	_ =	shalt  }
0x44: {  	_ =	shalt  }
0x45: {  	_ =	shalt  }
0x46: {  	_ =	shalt  }
0x47: {  	_ =	shalt  }
0x48: {  	_ =	shalt  }
0x49: {  	_ =	shalt  }
0x4a: {  	_ =	shalt  }
0x4b: {  	_ =	shalt  }
0x4c: {  	_ =	shalt  }
0x4d: {  	_ =	shalt  }
0x4e: {  	_ =	shalt  }
0x4f: {  	_ =	shalt  }
0x50: {  	_ =	shalt  }
0x51: {  	_ =	shalt  }
0x52: {  	_ =	shalt  }
0x53: {  	_ =	shalt  }
0x54: {  	_ =	shalt  }
0x55: {  	_ =	shalt  }
0x56: {  	_ =	shalt  }
0x57: {  	_ =	shalt  }
0x58: {  	_ =	shalt  }
0x59: {  	_ =	shalt  }
0x5a: {  	_ =	shalt  }
0x5b: {  	_ =	shalt  }
0x5c: {  	_ =	shalt  }
0x5d: {  	_ =	shalt  }
0x5e: {  	_ =	shalt  }
0x5f: {  	_ =	shalt  }
0x60: {  	_ =	shalt  }
0x61: {  	_ =	shalt  }
0x62: {  	_ =	shalt  }
0x63: {  	_ =	shalt  }
0x64: {  	_ =	shalt  }
0x65: {  	_ =	shalt  }
0x66: {  	_ =	shalt  }
0x67: {  	_ =	shalt  }
0x68: {  	_ =	shalt  }
0x69: {  	_ =	shalt  }
0x6a: {  	_ =	shalt  }
0x6b: {  	_ =	shalt  }
0x6c: {  	_ =	shalt  }
0x6d: {  	_ =	shalt  }
0x6e: {  	_ =	shalt  }
0x6f: {  	_ =	shalt  }
0x70: {  	_ =	shalt  }
0x71: {  	_ =	shalt  }
0x72: {  	_ =	shalt  }
0x73: {  	_ =	shalt  }
0x74: {  	_ =	shalt  }
0x75: {  	_ =	shalt  }
0x76: {  	_ =	shalt  }
0x77: {  	_ =	shalt  }
0x78: {  	_ =	shalt  }
0x79: {  	_ =	shalt  }
0x7a: {  	_ =	shalt  }
0x7b: {  	_ =	shalt  }
0x7c: {  	_ =	shalt  }
0x7d: {  	_ =	shalt  }
0x7e: {  	_ =	shalt  }
0x7f: {  	_ =	shalt  }
0x80: {  	_ =	shalt  }
0x81: {  	_ =	shalt  }
0x82: {  	_ =	shalt  }
0x83: {  	_ =	shalt  }
0x84: {  	_ =	shalt  }
0x85: {  	_ =	shalt  }
0x86: {  	_ =	shalt  }
0x87: {  	_ =	shalt  }
.Lfunc_end0:
.L_simem_size_0:
called_computation.1_lowered:
.L_overlay_start_0:
0x88: {  	s2 =	sld [smem:$0x3FD9]  }
0x89: {  	s3 =	sld [smem:$0x3FFE];
	_ =	sdelay $0x1  }
0x8a: {  	s1 =	srdreg.scid  }
0x8b: {  	s0 =	sand.u32 $0x1, s1  }
0x8c: {  	s17 =	sshll.u32 s0, $0xA;
	s2 =	sadd.s32 s3, s2  }
0x8d: {  	s2 =	sadd.s32 s2, s17  }
0x8e: {  	[smem:$0x3FC6] =	sst s2  }
0x8f: {  	_ = 	snop  }
0x90: {  	s2 =	sld [smem:$0x3FD0];
	(tm) =	ssettm $0x1  }
0x91: {  	s18 =	sld [smem:$0x3FFB];
	_ =	sdelay $0x3  }
0x92: {  	_ =	strace s18  }
0x93: {  	s3 =	sld [smem:$0x3FFC];
	_ =	sdelay $0x3  }
0x94: {  	_ =	strace s3  }
0x95: {  	s3 =	sld [smem:$0x3FFD];
	_ =	sdelay $0x3  }
0x96: {  	_ =	strace s3  }
0x97: {  	_ =	strace $0x8FFFFFFF  }
0x98: {  	s19 =	sld [smem:$0x3FDB];
	_ =	sdelay $0x1  }
0x99: {  	s4 =	simm.s32 $_scs_section_size  }
0x9a: {  	s5 =	simm.s32 $_size__tile_overlayer_lowered;
	s6 =	simm.s32 $_tile_overlayer_lowered  }
0x9b: {  	s22 =	simm.s32 $0x1BFF;
	s21 =	sshll.u32 s6, $0x1;
	s3 =	sadd.s32 s4, s19  }
0x9c: {  	s7 =	simm.s32 $0x0;
	s20 =	sshll.u32 s5, $0x1;
	s5 =	sadd.s32 s21, s3  }
0x9d: {  	[timem:s7], [sflag:s22] =	dma.local [hbm:s5], s20  }
0x9e: {  	_ =	swait.ge [sflag:s22], s20  }
0x9f: {  	s4 =	ssub.s32 $0x0, s20;
	[sflag:s22] =	ssyncset.done $0x0  }
0xa0: {  	[sflag:s22] =	ssyncadd.s32 s4;
	_ =	sdelay $0x1  }
0xa1: {  	s23 =	simm.s32 $0x1B8B  }
0xa2: {  	_ =	swait.ge [sflag:s23], $0x1  }
0xa3: {  	[sflag:s23] =	ssyncset.done $0x0  }
0xa4: {  	s25 =	simm.s32 $0x1B8E;
	s24 =	sld [smem:$0x3FFE];
	[sflag:s23] =	ssyncadd.s32 $0xFFFFFFFF  }
0xa5: {  	s26 =	simm.s32 $execute0_lowered;
	[smem:$0x3FD2] =	sst s25  }
0xa6: {  	s5 =	sshll.u32 s26, $0x1;
	_ =	strace $0x80000049;
	[dreg:$0x1] =	wrdreg $0xFFFFFFFF  }
0xa7: {  	s28 =	simm.s32 $_size_execute0_lowered;
	s3 =	sadd.s32 s3, s5;
	[dreg:$0x0] =	wrdreg $0x0  }
0xa8: {  	s5 =	sshll.u32 s28, $0x1;
	[dreg:$0x2] =	wrdreg s3  }
0xa9: {  	[dreg:$0x3] =	wrdreg s5  }
0xaa: {  	[dreg:$0x4] =	wrdreg $0xC0  }
0xab: {  	_ =	task [dreg:s7], $0x5FFFF  }
0xac: {  	[dreg:$0x1] =	wrdreg $0xFFFFFFFF  }
0xad: {  	[dreg:$0x0] =	wrdreg $0x60  }
0xae: {  	[dreg:$0x2] =	wrdreg s24  }
0xaf: {  	[dreg:$0x3] =	wrdreg s2  }
0xb0: {  	[dreg:$0x4] =	wrdreg $0x9  }
0xb1: {  	_ =	task.clear_ibuf [dreg:s7], $0x5FFFF;
	_ =	strace $0x90000049  }
0xb2: {  	s29 =	simm.s32 $0x9;
	_ =	strace $0x8000004B  }
0xb3: {  	_ =	swait.ge [sflag:s29], $0x1  }
0xb4: {  	[sflag:s29] =	ssyncadd.s32 $0xFFFFFFFF  }
0xb5: {  	_ =	strace $0x9000004B  }
0xb6: {  	_ =	sfence  }
0xb7: {  	s30 =	sld [smem:$0x0];
	_ =	sdelay $0x2  }
0xb8: {  	s31 =	sshll.u32 s1, $0xD;
	s1 =	sshrl.u32 s1, $0x2  }
0xb9: {  	s3 =	sand.u32 $0x4000, s31;
	s1 =	sadd.s32 s1, s30  }
0xba: {  	s0 =	sor.u32 s3, s0;
	s1 =	sshll.u32 s1, $0x11  }
0xbb: {  	s0 =	sor.u32 s1, s0  }
0xbc: {  	s0 =	sadd.s32 $0x8F2B, s0  }
0xbd: {  	[sflag:s0] =	ssyncadd.remote.s32 $0x1  }
0xbe: {  	_ =	sfence.sel $0xFFFF  }
0xbf: {  	[dreg:$0x0] =	wrdreg $0xFFFFFFFF;
	(pc) =	sbr.abs _section_cstart, $3  }
0xc0: {  	[dreg:$0x1] =	wrdreg $0xFFFFFFFF  }
0xc1: {  	_ =	task.clear_ibuf [dreg:s7], $0x2FFFF;
	_ =	strace $0x9FFFFFFF  }
0xc2: {  	(tm) =	ssettm $0x7FFFFFFF  }
0xc3: {  	_ =	shalt  }
tec
execute0_lowered:
.L_overlay_start_1:
0x0: {  	(tag) =	ssettag $0x1  }
0x1: {  	s4 =	rddreg [dreg:$0x0]  }
0x2: {  	s13 =	rddreg [dreg:$0x1]  }
0x3: {  	s0 =	rddreg [dreg:$0x2]  }
0x4: {  	s3 =	srdreg.scid;
	s1 =	stileid.u32  }
0x5: {  	s2 =	simm.s32 $0x0;
	s18 =	sand.u32 $0x1, s3;
	s31 =	sshll.u32 s1, $0x1  }
0x6: {  	[smem:$0x7FF] =	sst s2;
	s3 =	sor.u32 s18, s31  }
0x7: {  	_ =	strace $0x8000004A;
	s14 =	smul.u32 $0x14, s3;
	s3 =	simm.s32 $0x1  }
0x8: {  	[tilespmem:s2], [sflag:$0x1] =	stream.linear.gather [hbm4b:s4+s2], $0x1400, $0x38;
	[tilespmem:$0x1F00] =	vst v63  }
0x9: {  	_ =	swait.ge [sflag:s3], $0x1400  }
0xa: {  	s17 =	sadd.s32 s14, s4;
	[sflag:s3] =	ssyncset.done $0x0  }
0xb: {  	s6 =	simm.s32 $0x1400;
	s5 =	sadd.s32 $0x28800, s17;
	[sflag:s3] =	ssyncadd.s32 $0xFFFFEC00  }
0xc: {  	[tilespmem:s6], [sflag:$0x1] =	stream.linear.gather [hbm4b:s5+s2], $0xA0, $0x38;
	[tilespmem:$0x1F00] =	vst v63  }
0xd: {  	_ =	swait.ge [sflag:s3], $0xA0  }
0xe: {  	[sflag:s3] =	ssyncset.done $0x0  }
0xf: {  	s8 =	simm.s32 $0x1500;
	s7 =	sadd.s32 $0x28000, s17;
	[sflag:s3] =	ssyncadd.s32 $0xFFFFFF60  }
0x10: {  	[tilespmem:s8], [sflag:$0x1] =	stream.linear.gather [hbm4b:s7+s2], $0xA0, $0x38;
	[tilespmem:$0x1F00] =	vst v63  }
0x11: {  	_ =	swait.ge [sflag:s3], $0xA0  }
0x12: {  	[sflag:s3] =	ssyncset.done $0x0  }
0x13: {  	s10 =	simm.s32 $0x1600;
	s9 =	sadd.s32 $0x27800, s17;
	[sflag:s3] =	ssyncadd.s32 $0xFFFFFF60  }
0x14: {  	[tilespmem:s10], [sflag:$0x1] =	stream.linear.gather [hbm4b:s9+s2], $0xA0, $0x38;
	[tilespmem:$0x1F00] =	vst v63  }
0x15: {  	_ =	swait.ge [sflag:s3], $0xA0  }
0x16: {  	[sflag:s3] =	ssyncset.done $0x0  }
0x17: {  	s12 =	simm.s32 $0x1700;
	s11 =	sadd.s32 $0x27C00, s17;
	[sflag:s3] =	ssyncadd.s32 $0xFFFFFF60  }
0x18: {  	[tilespmem:s12], [sflag:$0x1] =	stream.linear.gather [hbm4b:s11+s2], $0xA0, $0x38;
	[tilespmem:$0x1F00] =	vst v63  }
0x19: {  	_ =	swait.ge [sflag:s3], $0xA0  }
0x1a: {  	[sflag:s3] =	ssyncset.done $0x0  }
0x1b: {  	s13 =	sadd.s32 s13, s14;
	s14 =	simm.s32 $0x1800;
	[sflag:s3] =	ssyncadd.s32 $0xFFFFFF60  }
0x1c: {  	[tilespmem:s14], [sflag:$0x1] =	stream.linear.gather [hbm4b:s13+s2], $0xA0, $0x38;
	[tilespmem:$0x1F00] =	vst v63  }
0x1d: {  	_ =	swait.ge [sflag:s3], $0xA0  }
0x1e: {  	[sflag:s3] =	ssyncset.done $0x0  }
0x1f: {  	s16 =	simm.s32 $0x1900;
	s15 =	sadd.s32 $0x28400, s17;
	[sflag:s3] =	ssyncadd.s32 $0xFFFFFF60  }
0x20: {  	[tilespmem:s16], [sflag:$0x1] =	stream.linear.gather [hbm4b:s15+s2], $0xA0, $0x38;
	[tilespmem:$0x1F00] =	vst v63  }
0x21: {  	_ =	swait.ge [sflag:s3], $0xA0  }
0x22: {  	[sflag:s3] =	ssyncset.done $0x0  }
0x23: {  	[sflag:s3] =	ssyncadd.s32 $0xFFFFFF60  }
0x24: {  	v0 =	vld [tilespmem:$0x1400];
	_ =	sdelay $0x5  }
0x25: {  	v1 =	vld [tilespmem:$0x1500]  }
0x26: {  	v2 =	vld [tilespmem:$0x1900]  }
0x27: {  	v0 =	vld.idx.msk [tilespmem:v0+s2+$0x0], $0xffff  }
0x28: {  	v3 =	vld [tilespmem:$0x1700]  }
0x29: {  	v4 =	vld [tilespmem:$0x1800]  }
0x2a: {  	v5 =	vld [tilespmem:$0x1600]  }
0x2b: {  	v6 =	vld [tilespmem:$0x1410]  }
0x2c: {  	v1 =	vmul.f32 v1, v0  }
0x2d: {  	v2 =	vmul.f32 v2, v0  }
0x2e: {  	v4 =	vmul.f32 v4, v0;
	[tilespmem:$0x1A00] =	vst v1  }
0x2f: {  	v1 =	vmul.f32 v5, v0;
	[tilespmem:$0x1E00] =	vst v2  }
0x30: {  	v0 =	vmul.f32 v3, v0;
	[tilespmem:$0x1D00] =	vst v4  }
0x31: {  	v2 =	vld [tilespmem:$0x1510];
	[tilespmem:$0x1B00] =	vst v1  }
0x32: {  	v3 =	vld [tilespmem:$0x1910];
	[tilespmem:$0x1C00] =	vst v0  }
0x33: {  	v0 =	vld.idx.msk [tilespmem:v6+s2+$0x0], $0xffff  }
0x34: {  	v4 =	vld [tilespmem:$0x1710]  }
0x35: {  	v1 =	vld [tilespmem:$0x1810]  }
0x36: {  	v5 =	vld [tilespmem:$0x1610]  }
0x37: {  	v6 =	vld [tilespmem:$0x1420]  }
0x38: {  	v2 =	vmul.f32 v2, v0  }
0x39: {  	v3 =	vmul.f32 v3, v0  }
0x3a: {  	v1 =	vmul.f32 v1, v0;
	[tilespmem:$0x1A10] =	vst v2  }
0x3b: {  	v2 =	vmul.f32 v5, v0;
	[tilespmem:$0x1E10] =	vst v3  }
0x3c: {  	v0 =	vmul.f32 v4, v0;
	[tilespmem:$0x1D10] =	vst v1  }
0x3d: {  	v1 =	vld [tilespmem:$0x1820];
	[tilespmem:$0x1B10] =	vst v2  }
0x3e: {  	[tilespmem:$0x1C10] =	vst v0;
	v2 =	vld [tilespmem:$0x1520]  }
0x3f: {  	v0 =	vld.idx.msk [tilespmem:v6+s2+$0x0], $0xffff  }
0x40: {  	v3 =	vld [tilespmem:$0x1720]  }
0x41: {  	v4 =	vld [tilespmem:$0x1620]  }
0x42: {  	v5 =	vld [tilespmem:$0x1920]  }
0x43: {  	v6 =	vld [tilespmem:$0x1430]  }
0x44: {  	v2 =	vmul.f32 v2, v0  }
0x45: {  	v3 =	vmul.f32 v3, v0  }
0x46: {  	v4 =	vmul.f32 v4, v0;
	[tilespmem:$0x1A20] =	vst v2  }
0x47: {  	v2 =	vmul.f32 v5, v0;
	[tilespmem:$0x1C20] =	vst v3  }
0x48: {  	v0 =	vmul.f32 v1, v0;
	[tilespmem:$0x1B20] =	vst v4  }
0x49: {  	v1 =	vld [tilespmem:$0x1830];
	[tilespmem:$0x1E20] =	vst v2  }
0x4a: {  	[tilespmem:$0x1D20] =	vst v0;
	v2 =	vld [tilespmem:$0x1530]  }
0x4b: {  	v0 =	vld.idx.msk [tilespmem:v6+s2+$0x0], $0xffff  }
0x4c: {  	v3 =	vld [tilespmem:$0x1630]  }
0x4d: {  	v4 =	vld [tilespmem:$0x1930]  }
0x4e: {  	v5 =	vld [tilespmem:$0x1730]  }
0x4f: {  	v6 =	vld [tilespmem:$0x1440]  }
0x50: {  	v2 =	vmul.f32 v2, v0  }
0x51: {  	v3 =	vmul.f32 v3, v0  }
0x52: {  	[tilespmem:$0x1A30] =	vst v2;
	v2 =	vmul.f32 v4, v0  }
0x53: {  	v4 =	vmul.f32 v5, v0;
	[tilespmem:$0x1B30] =	vst v3  }
0x54: {  	v0 =	vmul.f32 v1, v0;
	[tilespmem:$0x1E30] =	vst v2  }
0x55: {  	v1 =	vld [tilespmem:$0x1840];
	[tilespmem:$0x1C30] =	vst v4  }
0x56: {  	[tilespmem:$0x1D30] =	vst v0;
	v2 =	vld [tilespmem:$0x1540]  }
0x57: {  	v0 =	vld.idx.msk [tilespmem:v6+s2+$0x0], $0xffff  }
0x58: {  	v3 =	vld [tilespmem:$0x1740]  }
0x59: {  	v4 =	vld [tilespmem:$0x1640]  }
0x5a: {  	v5 =	vld [tilespmem:$0x1940]  }
0x5b: {  	v6 =	vld [tilespmem:$0x1450]  }
0x5c: {  	v2 =	vmul.f32 v2, v0  }
0x5d: {  	v3 =	vmul.f32 v3, v0  }
0x5e: {  	v4 =	vmul.f32 v4, v0;
	[tilespmem:$0x1A40] =	vst v2  }
0x5f: {  	v2 =	vmul.f32 v5, v0;
	[tilespmem:$0x1C40] =	vst v3  }
0x60: {  	v0 =	vmul.f32 v1, v0;
	[tilespmem:$0x1B40] =	vst v4  }
0x61: {  	v1 =	vld [tilespmem:$0x1850];
	[tilespmem:$0x1E40] =	vst v2  }
0x62: {  	[tilespmem:$0x1D40] =	vst v0;
	v2 =	vld [tilespmem:$0x1550]  }
0x63: {  	v0 =	vld.idx.msk [tilespmem:v6+s2+$0x0], $0xffff  }
0x64: {  	v3 =	vld [tilespmem:$0x1750]  }
0x65: {  	v4 =	vld [tilespmem:$0x1950]  }
0x66: {  	v5 =	vld [tilespmem:$0x1650]  }
0x67: {  	v6 =	vld [tilespmem:$0x1460]  }
0x68: {  	v2 =	vmul.f32 v2, v0  }
0x69: {  	v3 =	vmul.f32 v3, v0  }
0x6a: {  	[tilespmem:$0x1A50] =	vst v2;
	v2 =	vmul.f32 v4, v0  }
0x6b: {  	v4 =	vmul.f32 v5, v0;
	[tilespmem:$0x1C50] =	vst v3  }
0x6c: {  	v0 =	vmul.f32 v1, v0;
	[tilespmem:$0x1E50] =	vst v2  }
0x6d: {  	v1 =	vld [tilespmem:$0x1860];
	[tilespmem:$0x1B50] =	vst v4  }
0x6e: {  	[tilespmem:$0x1D50] =	vst v0;
	v2 =	vld [tilespmem:$0x1560]  }
0x6f: {  	v0 =	vld.idx.msk [tilespmem:v6+s2+$0x0], $0xffff  }
0x70: {  	v3 =	vld [tilespmem:$0x1760]  }
0x71: {  	v4 =	vld [tilespmem:$0x1960]  }
0x72: {  	v5 =	vld [tilespmem:$0x1660]  }
0x73: {  	v6 =	vld [tilespmem:$0x1470]  }
0x74: {  	v2 =	vmul.f32 v2, v0  }
0x75: {  	v3 =	vmul.f32 v3, v0  }
0x76: {  	v4 =	vmul.f32 v4, v0;
	[tilespmem:$0x1A60] =	vst v2  }
0x77: {  	v2 =	vmul.f32 v5, v0;
	[tilespmem:$0x1C60] =	vst v3  }
0x78: {  	v0 =	vmul.f32 v1, v0;
	[tilespmem:$0x1E60] =	vst v4  }
0x79: {  	v1 =	vld [tilespmem:$0x1870];
	[tilespmem:$0x1B60] =	vst v2  }
0x7a: {  	[tilespmem:$0x1D60] =	vst v0;
	v0 =	vld [tilespmem:$0x1570]  }
0x7b: {  	v2 =	vld.idx.msk [tilespmem:v6+s2+$0x0], $0xffff  }
0x7c: {  	v3 =	vld [tilespmem:$0x1670]  }
0x7d: {  	v4 =	vld [tilespmem:$0x1770]  }
0x7e: {  	v5 =	vld [tilespmem:$0x1970]  }
0x7f: {  	v6 =	vld [tilespmem:$0x1480]  }
0x80: {  	s18 =	ssub.s32 $0x2, s18;
	v0 =	vmul.f32 v0, v2  }
0x81: {  	s19 =	sshrl.u32 s18, $0x1;
	v3 =	vmul.f32 v3, v2  }
0x82: {  	s22 =	ssub.s32 s18, s19;
	v4 =	vmul.f32 v4, v2;
	[tilespmem:$0x1A70] =	vst v0  }
0x83: {  	s22 =	smax.u32 s22, $0x1;
	v5 =	vmul.f32 v5, v2;
	v2 =	vmul.f32 v1, v2;
	v1 =	vld [tilespmem:$0x1880];
	[tilespmem:$0x1B70] =	vst v3  }
0x84: {  	p0 =	sne.s32 s22, $0x1;
	v0 =	vld [tilespmem:$0x1490];
	[tilespmem:$0x1C70] =	vst v4  }
.Ltmp0:
0x85: {  	[tilespmem:$0x1E70] =	vst v5;
	v3 =	vld [tilespmem:$0x1680];
	(pc) =	sbr.rel @!p0 .LBB2_2-.Ltmp0, $4  }
0x86: {  	s26 =	simm.s32 $0x1A00;
	s25 =	simm.s32 $0x1B00;
	[tilespmem:$0x1D70] =	vst v2;
	v5 =	vld [tilespmem:$0x1580]  }
0x87: {  	s23 =	simm.s32 $0x1C00;
	s24 =	simm.s32 $0x1D00;
	s21 =	sadd.s32 $0x400, s17;
	v2 =	vld.idx.msk [tilespmem:v6+s2+$0x0], $0xffff  }
0x88: {  	s20 =	sadd.s32 $0x800, s17;
	s19 =	sadd.s32 $0xC00, s17;
	s18 =	sadd.s32 $0x1000, s17;
	v6 =	vld [tilespmem:$0x1780]  }
0x89: {  	s17 =	sadd.s32 $0x1400, s17;
	s28 =	sadd.s32 $0xFFFFFFFF, s22;
	s22 =	simm.s32 $0x1E00;
	v4 =	vld [tilespmem:$0x1980]  }
.LBB2_1:
0x8a: {  	_ = 	snop  }
0x8b: {  	p0 =	sne.s32 s28, $0x1;
	s28 =	sadd.s32 $0xFFFFFFFF, s28  }
0x8c: {  	v3 =	vmul.f32 v3, v2;
	v5 =	vmul.f32 v5, v2  }
0x8d: {  	v1 =	vmul.f32 v1, v2;
	v6 =	vmul.f32 v6, v2  }
0x8e: {  	[tilespmem:$0x1A80] =	vst v5;
	v2 =	vmul.f32 v4, v2  }
0x8f: {  	[tilespmem:$0x1B80] =	vst v3  }
0x90: {  	[tilespmem:$0x1C80] =	vst v6  }
0x91: {  	[tilespmem:$0x1E80] =	vst v2;
	v2 =	vld [tilespmem:$0x1890]  }
0x92: {  	[tilespmem:$0x1D80] =	vst v1;
	v1 =	vld [tilespmem:$0x1690]  }
0x93: {  	v0 =	vld.idx.msk [tilespmem:v0+s2+$0x0], $0xffff  }
0x94: {  	v3 =	vld [tilespmem:$0x1590]  }
0x95: {  	v4 =	vld [tilespmem:$0x1790]  }
0x96: {  	v5 =	vld [tilespmem:$0x1990];
	_ =	sdelay $0x2  }
0x97: {  	v1 =	vmul.f32 v1, v0;
	v3 =	vmul.f32 v3, v0  }
0x98: {  	v2 =	vmul.f32 v2, v0;
	v4 =	vmul.f32 v4, v0  }
0x99: {  	[tilespmem:$0x1A90] =	vst v3;
	v0 =	vmul.f32 v5, v0  }
0x9a: {  	[tilespmem:$0x1C90] =	vst v4  }
0x9b: {  	[tilespmem:$0x1E90] =	vst v0  }
0x9c: {  	[tilespmem:$0x1B90] =	vst v1  }
0x9d: {  	[tilespmem:$0x1D90] =	vst v2  }
0x9e: {  	[hbm4b:s21+s2] =	stream.linear.scatter [tilespmem:s26], [sflag:$0x1], $0xA0, $0x38;
	[tilespmem:$0x1F00] =	vst v63  }
0x9f: {  	_ =	swait.ge [sflag:s3], $0xA0  }
0xa0: {  	[sflag:s3] =	ssyncset.done $0x0  }
0xa1: {  	[sflag:s3] =	ssyncadd.s32 $0xFFFFFF60  }
0xa2: {  	[hbm4b:s20+s2] =	stream.linear.scatter [tilespmem:s25], [sflag:$0x1], $0xA0, $0x38;
	[tilespmem:$0x1F00] =	vst v63  }
0xa3: {  	_ =	swait.ge [sflag:s3], $0xA0  }
0xa4: {  	[sflag:s3] =	ssyncset.done $0x0  }
0xa5: {  	[sflag:s3] =	ssyncadd.s32 $0xFFFFFF60  }
0xa6: {  	[hbm4b:s19+s2] =	stream.linear.scatter [tilespmem:s23], [sflag:$0x1], $0xA0, $0x38;
	[tilespmem:$0x1F00] =	vst v63  }
0xa7: {  	_ =	swait.ge [sflag:s3], $0xA0  }
0xa8: {  	[sflag:s3] =	ssyncset.done $0x0  }
0xa9: {  	[sflag:s3] =	ssyncadd.s32 $0xFFFFFF60  }
0xaa: {  	[hbm4b:s18+s2] =	stream.linear.scatter [tilespmem:s24], [sflag:$0x1], $0xA0, $0x38;
	[tilespmem:$0x1F00] =	vst v63  }
0xab: {  	_ =	swait.ge [sflag:s3], $0xA0  }
0xac: {  	[sflag:s3] =	ssyncset.done $0x0  }
0xad: {  	[sflag:s3] =	ssyncadd.s32 $0xFFFFFF60  }
0xae: {  	[hbm4b:s17+s2] =	stream.linear.scatter [tilespmem:s22], [sflag:$0x1], $0xA0, $0x38;
	[tilespmem:$0x1F00] =	vst v63  }
0xaf: {  	_ =	swait.ge [sflag:s3], $0xA0  }
0xb0: {  	[sflag:s3] =	ssyncset.done $0x0  }
0xb1: {  	[sflag:s3] =	ssyncadd.s32 $0xFFFFFF60;
	_ =	sdelay $0x2  }
0xb2: {  	[tilespmem:s2], [sflag:$0x1] =	stream.linear.gather [hbm4b:s4+s2], $0x1400, $0x38;
	[tilespmem:$0x1F00] =	vst v63  }
0xb3: {  	_ =	swait.ge [sflag:s3], $0x1400  }
0xb4: {  	[sflag:s3] =	ssyncset.done $0x0  }
0xb5: {  	[sflag:s3] =	ssyncadd.s32 $0xFFFFEC00  }
0xb6: {  	[tilespmem:s6], [sflag:$0x1] =	stream.linear.gather [hbm4b:s5+s2], $0xA0, $0x38;
	[tilespmem:$0x1F00] =	vst v63  }
0xb7: {  	_ =	swait.ge [sflag:s3], $0xA0  }
0xb8: {  	[sflag:s3] =	ssyncset.done $0x0  }
0xb9: {  	[sflag:s3] =	ssyncadd.s32 $0xFFFFFF60  }
0xba: {  	[tilespmem:s8], [sflag:$0x1] =	stream.linear.gather [hbm4b:s7+s2], $0xA0, $0x38;
	[tilespmem:$0x1F00] =	vst v63  }
0xbb: {  	_ =	swait.ge [sflag:s3], $0xA0  }
0xbc: {  	[sflag:s3] =	ssyncset.done $0x0  }
0xbd: {  	[sflag:s3] =	ssyncadd.s32 $0xFFFFFF60  }
0xbe: {  	[tilespmem:s10], [sflag:$0x1] =	stream.linear.gather [hbm4b:s9+s2], $0xA0, $0x38;
	[tilespmem:$0x1F00] =	vst v63  }
0xbf: {  	_ =	swait.ge [sflag:s3], $0xA0  }
0xc0: {  	[sflag:s3] =	ssyncset.done $0x0  }
0xc1: {  	[sflag:s3] =	ssyncadd.s32 $0xFFFFFF60  }
0xc2: {  	[tilespmem:s12], [sflag:$0x1] =	stream.linear.gather [hbm4b:s11+s2], $0xA0, $0x38;
	[tilespmem:$0x1F00] =	vst v63  }
0xc3: {  	_ =	swait.ge [sflag:s3], $0xA0  }
0xc4: {  	[sflag:s3] =	ssyncset.done $0x0  }
0xc5: {  	[sflag:s3] =	ssyncadd.s32 $0xFFFFFF60  }
0xc6: {  	[tilespmem:s14], [sflag:$0x1] =	stream.linear.gather [hbm4b:s13+s2], $0xA0, $0x38;
	[tilespmem:$0x1F00] =	vst v63  }
0xc7: {  	_ =	swait.ge [sflag:s3], $0xA0  }
0xc8: {  	[sflag:s3] =	ssyncset.done $0x0  }
0xc9: {  	[sflag:s3] =	ssyncadd.s32 $0xFFFFFF60  }
0xca: {  	[tilespmem:s16], [sflag:$0x1] =	stream.linear.gather [hbm4b:s15+s2], $0xA0, $0x38;
	[tilespmem:$0x1F00] =	vst v63  }
0xcb: {  	_ =	swait.ge [sflag:s3], $0xA0  }
0xcc: {  	[sflag:s3] =	ssyncset.done $0x0  }
0xcd: {  	[sflag:s3] =	ssyncadd.s32 $0xFFFFFF60  }
0xce: {  	v1 =	vld [tilespmem:$0x1400]  }
0xcf: {  	v2 =	vld [tilespmem:$0x1500]  }
0xd0: {  	v3 =	vld [tilespmem:$0x1900]  }
0xd1: {  	v4 =	vld [tilespmem:$0x1700]  }
0xd2: {  	v5 =	vld [tilespmem:$0x1800]  }
0xd3: {  	v6 =	vld [tilespmem:$0x1600]  }
0xd4: {  	v7 =	vld [tilespmem:$0x1410]  }
0xd5: {  	v0 =	vld [tilespmem:$0x1490]  }
0xd6: {  	v1 =	vld.idx.msk [tilespmem:v1+s2+$0x0], $0xffff;
	_ =	sdelay $0x5  }
0xd7: {  	v2 =	vmul.f32 v2, v1;
	v3 =	vmul.f32 v3, v1  }
0xd8: {  	v4 =	vmul.f32 v4, v1;
	v5 =	vmul.f32 v5, v1  }
0xd9: {  	v1 =	vmul.f32 v6, v1;
	[tilespmem:$0x1A00] =	vst v2  }
0xda: {  	[tilespmem:$0x1E00] =	vst v3  }
0xdb: {  	[tilespmem:$0x1D00] =	vst v5  }
0xdc: {  	[tilespmem:$0x1B00] =	vst v1;
	v1 =	vld [tilespmem:$0x1810]  }
0xdd: {  	[tilespmem:$0x1C00] =	vst v4;
	v2 =	vld [tilespmem:$0x1910]  }
0xde: {  	v3 =	vld.idx.msk [tilespmem:v7+s2+$0x0], $0xffff  }
0xdf: {  	v4 =	vld [tilespmem:$0x1510]  }
0xe0: {  	v5 =	vld [tilespmem:$0x1710]  }
0xe1: {  	v6 =	vld [tilespmem:$0x1610];
	_ =	sdelay $0x1  }
0xe2: {  	v7 =	vld [tilespmem:$0x1420]  }
0xe3: {  	v2 =	vmul.f32 v2, v3;
	v4 =	vmul.f32 v4, v3  }
0xe4: {  	v1 =	vmul.f32 v1, v3;
	v5 =	vmul.f32 v5, v3  }
0xe5: {  	[tilespmem:$0x1A10] =	vst v4;
	v3 =	vmul.f32 v6, v3  }
0xe6: {  	[tilespmem:$0x1E10] =	vst v2  }
0xe7: {  	[tilespmem:$0x1D10] =	vst v1  }
0xe8: {  	[tilespmem:$0x1B10] =	vst v3;
	v1 =	vld [tilespmem:$0x1820]  }
0xe9: {  	[tilespmem:$0x1C10] =	vst v5;
	v2 =	vld [tilespmem:$0x1620]  }
0xea: {  	v3 =	vld.idx.msk [tilespmem:v7+s2+$0x0], $0xffff  }
0xeb: {  	v4 =	vld [tilespmem:$0x1520]  }
0xec: {  	v5 =	vld [tilespmem:$0x1720]  }
0xed: {  	v6 =	vld [tilespmem:$0x1920];
	_ =	sdelay $0x1  }
0xee: {  	v7 =	vld [tilespmem:$0x1430]  }
0xef: {  	v2 =	vmul.f32 v2, v3;
	v4 =	vmul.f32 v4, v3  }
0xf0: {  	v1 =	vmul.f32 v1, v3;
	v5 =	vmul.f32 v5, v3  }
0xf1: {  	[tilespmem:$0x1A20] =	vst v4;
	v3 =	vmul.f32 v6, v3  }
0xf2: {  	[tilespmem:$0x1C20] =	vst v5  }
0xf3: {  	[tilespmem:$0x1B20] =	vst v2  }
0xf4: {  	[tilespmem:$0x1E20] =	vst v3;
	v2 =	vld [tilespmem:$0x1830]  }
0xf5: {  	[tilespmem:$0x1D20] =	vst v1;
	v1 =	vld [tilespmem:$0x1630]  }
0xf6: {  	v3 =	vld.idx.msk [tilespmem:v7+s2+$0x0], $0xffff  }
0xf7: {  	v4 =	vld [tilespmem:$0x1530]  }
0xf8: {  	v5 =	vld [tilespmem:$0x1730]  }
0xf9: {  	v6 =	vld [tilespmem:$0x1930];
	_ =	sdelay $0x1  }
0xfa: {  	v7 =	vld [tilespmem:$0x1440]  }
0xfb: {  	v1 =	vmul.f32 v1, v3;
	v4 =	vmul.f32 v4, v3  }
0xfc: {  	v2 =	vmul.f32 v2, v3;
	v5 =	vmul.f32 v5, v3  }
0xfd: {  	[tilespmem:$0x1A30] =	vst v4;
	v3 =	vmul.f32 v6, v3  }
0xfe: {  	[tilespmem:$0x1B30] =	vst v1  }
0xff: {  	[tilespmem:$0x1E30] =	vst v3  }
0x100: {  	[tilespmem:$0x1C30] =	vst v5;
	v1 =	vld [tilespmem:$0x1840]  }
0x101: {  	[tilespmem:$0x1D30] =	vst v2;
	v2 =	vld [tilespmem:$0x1640]  }
0x102: {  	v3 =	vld.idx.msk [tilespmem:v7+s2+$0x0], $0xffff  }
0x103: {  	v4 =	vld [tilespmem:$0x1540]  }
0x104: {  	v5 =	vld [tilespmem:$0x1740]  }
0x105: {  	v6 =	vld [tilespmem:$0x1940];
	_ =	sdelay $0x1  }
0x106: {  	v7 =	vld [tilespmem:$0x1450]  }
0x107: {  	v2 =	vmul.f32 v2, v3;
	v4 =	vmul.f32 v4, v3  }
0x108: {  	v1 =	vmul.f32 v1, v3;
	v5 =	vmul.f32 v5, v3  }
0x109: {  	[tilespmem:$0x1A40] =	vst v4;
	v3 =	vmul.f32 v6, v3  }
0x10a: {  	[tilespmem:$0x1C40] =	vst v5  }
0x10b: {  	[tilespmem:$0x1B40] =	vst v2  }
0x10c: {  	[tilespmem:$0x1E40] =	vst v3;
	v2 =	vld [tilespmem:$0x1850]  }
0x10d: {  	[tilespmem:$0x1D40] =	vst v1;
	v1 =	vld [tilespmem:$0x1650]  }
0x10e: {  	v3 =	vld.idx.msk [tilespmem:v7+s2+$0x0], $0xffff  }
0x10f: {  	v4 =	vld [tilespmem:$0x1550]  }
0x110: {  	v5 =	vld [tilespmem:$0x1750]  }
0x111: {  	v6 =	vld [tilespmem:$0x1950];
	_ =	sdelay $0x1  }
0x112: {  	v7 =	vld [tilespmem:$0x1460]  }
0x113: {  	v1 =	vmul.f32 v1, v3;
	v4 =	vmul.f32 v4, v3  }
0x114: {  	v2 =	vmul.f32 v2, v3;
	v5 =	vmul.f32 v5, v3  }
0x115: {  	[tilespmem:$0x1A50] =	vst v4;
	v3 =	vmul.f32 v6, v3  }
0x116: {  	[tilespmem:$0x1C50] =	vst v5  }
0x117: {  	[tilespmem:$0x1E50] =	vst v3  }
0x118: {  	[tilespmem:$0x1B50] =	vst v1;
	v1 =	vld [tilespmem:$0x1860]  }
0x119: {  	[tilespmem:$0x1D50] =	vst v2;
	v2 =	vld [tilespmem:$0x1960]  }
0x11a: {  	v3 =	vld.idx.msk [tilespmem:v7+s2+$0x0], $0xffff  }
0x11b: {  	v4 =	vld [tilespmem:$0x1560]  }
0x11c: {  	v5 =	vld [tilespmem:$0x1760]  }
0x11d: {  	v6 =	vld [tilespmem:$0x1660];
	_ =	sdelay $0x1  }
0x11e: {  	v7 =	vld [tilespmem:$0x1470]  }
0x11f: {  	v2 =	vmul.f32 v2, v3;
	v4 =	vmul.f32 v4, v3  }
0x120: {  	v1 =	vmul.f32 v1, v3;
	v5 =	vmul.f32 v5, v3  }
0x121: {  	[tilespmem:$0x1A60] =	vst v4;
	v3 =	vmul.f32 v6, v3  }
0x122: {  	[tilespmem:$0x1C60] =	vst v5  }
0x123: {  	[tilespmem:$0x1E60] =	vst v2  }
0x124: {  	[tilespmem:$0x1B60] =	vst v3;
	v2 =	vld [tilespmem:$0x1870]  }
0x125: {  	[tilespmem:$0x1D60] =	vst v1;
	v1 =	vld [tilespmem:$0x1670]  }
0x126: {  	v3 =	vld.idx.msk [tilespmem:v7+s2+$0x0], $0xffff  }
0x127: {  	v4 =	vld [tilespmem:$0x1570]  }
0x128: {  	v5 =	vld [tilespmem:$0x1770]  }
0x129: {  	v6 =	vld [tilespmem:$0x1970];
	_ =	sdelay $0x1  }
0x12a: {  	v7 =	vld [tilespmem:$0x1480]  }
0x12b: {  	v1 =	vmul.f32 v1, v3;
	v4 =	vmul.f32 v4, v3  }
0x12c: {  	v2 =	vmul.f32 v2, v3;
	v5 =	vmul.f32 v5, v3  }
0x12d: {  	[tilespmem:$0x1A70] =	vst v4;
	v3 =	vmul.f32 v6, v3  }
0x12e: {  	[tilespmem:$0x1B70] =	vst v1  }
0x12f: {  	[tilespmem:$0x1C70] =	vst v5  }
0x130: {  	[tilespmem:$0x1E70] =	vst v3;
	v1 =	vld [tilespmem:$0x1880]  }
.Ltmp1:
0x131: {  	[tilespmem:$0x1D70] =	vst v2;
	v3 =	vld [tilespmem:$0x1680];
	(pc) =	sbr.rel @p0 .LBB2_1-.Ltmp1, $4  }
0x132: {  	v2 =	vld.idx.msk [tilespmem:v7+s2+$0x0], $0xffff  }
0x133: {  	v5 =	vld [tilespmem:$0x1580]  }
0x134: {  	v6 =	vld [tilespmem:$0x1780]  }
0x135: {  	v4 =	vld [tilespmem:$0x1980]  }
.LBB2_2:
0x136: {  	_ =	sdelay $0x1  }
0x137: {  	v5 =	vmul.f32 v5, v2  }
0x138: {  	v3 =	vmul.f32 v3, v2  }
0x139: {  	v1 =	vmul.f32 v1, v2;
	[tilespmem:$0x1A80] =	vst v5  }
0x13a: {  	v6 =	vmul.f32 v6, v2;
	[tilespmem:$0x1B80] =	vst v3  }
0x13b: {  	v4 =	vmul.f32 v4, v2;
	[tilespmem:$0x1D80] =	vst v1  }
0x13c: {  	[tilespmem:$0x1C80] =	vst v6  }
0x13d: {  	v57 =	vld [tilespmem:$0x1590];
	[tilespmem:$0x1E80] =	vst v4  }
0x13e: {  	v0 =	vld.idx.msk [tilespmem:v0+s2+$0x0], $0xffff  }
0x13f: {  	v58 =	vld [tilespmem:$0x1790]  }
0x140: {  	v59 =	vld [tilespmem:$0x1990]  }
0x141: {  	v60 =	vld [tilespmem:$0x1690]  }
0x142: {  	v61 =	vld [tilespmem:$0x1890]  }
0x143: {  	v1 =	vmul.f32 v57, v0  }
0x144: {  	v2 =	vmul.f32 v58, v0  }
0x145: {  	v62 =	vmul.f32 v59, v0;
	[tilespmem:$0x1A90] =	vst v1  }
0x146: {  	v63 =	vmul.f32 v60, v0;
	[tilespmem:$0x1C90] =	vst v2  }
0x147: {  	v0 =	vmul.f32 v61, v0;
	[tilespmem:$0x1E90] =	vst v62  }
0x148: {  	[tilespmem:$0x1B90] =	vst v63  }
0x149: {  	[tilespmem:$0x1D90] =	vst v0  }
0x14a: {  	[hbm4b:s21+s2] =	stream.linear.scatter [tilespmem:s26], [sflag:$0x1], $0xA0, $0x38;
	[tilespmem:$0x1F00] =	vst v63  }
0x14b: {  	_ =	swait.ge [sflag:s3], $0xA0  }
0x14c: {  	[sflag:s3] =	ssyncset.done $0x0  }
0x14d: {  	[sflag:s3] =	ssyncadd.s32 $0xFFFFFF60  }
0x14e: {  	[hbm4b:s20+s2] =	stream.linear.scatter [tilespmem:s25], [sflag:$0x1], $0xA0, $0x38;
	[tilespmem:$0x1F00] =	vst v63  }
0x14f: {  	_ =	swait.ge [sflag:s3], $0xA0  }
0x150: {  	[sflag:s3] =	ssyncset.done $0x0  }
0x151: {  	[sflag:s3] =	ssyncadd.s32 $0xFFFFFF60  }
0x152: {  	[hbm4b:s19+s2] =	stream.linear.scatter [tilespmem:s23], [sflag:$0x1], $0xA0, $0x38;
	[tilespmem:$0x1F00] =	vst v63  }
0x153: {  	_ =	swait.ge [sflag:s3], $0xA0  }
0x154: {  	[sflag:s3] =	ssyncset.done $0x0  }
0x155: {  	[sflag:s3] =	ssyncadd.s32 $0xFFFFFF60  }
0x156: {  	[hbm4b:s18+s2] =	stream.linear.scatter [tilespmem:s24], [sflag:$0x1], $0xA0, $0x38;
	[tilespmem:$0x1F00] =	vst v63  }
0x157: {  	_ =	swait.ge [sflag:s3], $0xA0  }
0x158: {  	[sflag:s3] =	ssyncset.done $0x0  }
0x159: {  	[sflag:s3] =	ssyncadd.s32 $0xFFFFFF60  }
0x15a: {  	[hbm4b:s17+s2] =	stream.linear.scatter [tilespmem:s22], [sflag:$0x1], $0xA0, $0x38;
	[tilespmem:$0x1F00] =	vst v63  }
0x15b: {  	_ =	swait.ge [sflag:s3], $0xA0  }
0x15c: {  	[sflag:s3] =	ssyncset.done $0x0  }
0x15d: {  	[sflag:s3] =	ssyncadd.s32 $0xFFFFFF60  }
0x15e: {  	_ =	sfence.sel $0x180000  }
0x15f: {  	[bflag:$0x0] =	sbarrier.arrive $0xFFFF  }
0x160: {  	p0 =	sne.s32 s1, $0x0;
	_ =	strace $0x9000004A  }
0x161: {  	s0 =	sadd.s32 @!p0 $0x100000, s0;
	[bflag:$0x2] =	sbarrier.arrive $0xFFFF  }
0x162: {  	[sflag:s0] =	ssyncadd.tile.s32 @!p0 $0x1;
	_ =	shalt  }
.Lfunc_end2:
_tile_overlayer_lowered:
.L_overlay_start_2:
0x163: {  	(tag) =	ssettag $0x2  }
0x164: {  	s0 =	rddreg [dreg:$0x0];
	s2 =	stileid.u32  }
0x165: {  	s1 =	rddreg [dreg:$0x1];
	p0 =	sne.s32 s2, $0x0  }
0x166: {  	s3 =	rddreg [dreg:$0x2];
	[bflag:$0x3] =	sbarrier.arrive $0xFFFF;
	s2 =	simm.s32 @!p0 $0x1C01  }
0x167: {  	[timem:s3], [sflag:s2] =	dma.local @!p0 [hbm:s0], s1  }
0x168: {  	s0 =	simm.s32 @!p0 $0x1  }
0x169: {  	_ =	swait.ge @!p0 [sflag:s0], s1  }
0x16a: {  	s1 =	ssub.s32 @!p0 $0x0, s1;
	[sflag:s0] =	ssyncset.done @!p0 $0x0  }
0x16b: {  	[sflag:s0] =	ssyncadd.s32 @!p0 s1  }
0x16c: {  	[bflag:$0x3] =	sbarrier.arrive $0xFFFF  }
0x16d: {  	_ =	shalt  }

</sc_bundles>
